<compile_context>
chip_gen: v7x
topology: tpu7x:2x2x1
jax: 0.10.2.dev20260603
libtpu: 0.0.44.dev20260713+nightly
codegen_flags: <defaults>
</compile_context>

<pallas_src>
import jax
import jax.numpy as jnp
from jax import lax
from jax.experimental import pallas as pl
from jax.experimental.pallas import tpu as pltpu
from jax.experimental.pallas import tpu_sc as plsc

VOCAB = 1000000
EMBED_DIM = 64
BATCH = 16384
LANES = 16
NUM_WORKERS = 32
B_PER_W = BATCH // NUM_WORKERS
GATHER_CHUNK = 128
N_CHUNKS = B_PER_W // GATHER_CHUNK
GROUPS = B_PER_W // LANES
P_ROWS = VOCAB // LANES

TC_CHUNK = 32768
TC_GRID = (VOCAB + TC_CHUNK - 1) // TC_CHUNK


def _matvec_body(t_ref, w_ref, b_ref, p_ref):
    p_ref[...] = jnp.sum(t_ref[...] * w_ref[...], axis=0) + b_ref[0, 0]


def _table_dot_w(tphys, w, b11):
    return pl.pallas_call(
        _matvec_body,
        grid=(TC_GRID,),
        in_specs=[
            pl.BlockSpec((EMBED_DIM, TC_CHUNK), lambda i: (0, i)),
            pl.BlockSpec((EMBED_DIM, 1), lambda i: (0, 0)),
            pl.BlockSpec((1, 1), lambda i: (0, 0)),
        ],
        out_specs=pl.BlockSpec((TC_CHUNK,), lambda i: (i,)),
        out_shape=jax.ShapeDtypeStruct((VOCAB,), jnp.float32),
    )(tphys, w, b11)


def _sc_gather_body(p_hbm, x_hbm, out_hbm, idx_v, rows_v, lanes_v, vals_v,
                    out_v, sem):
    wid = lax.axis_index("s") * 2 + lax.axis_index("c")
    base = wid * B_PER_W

    for j in range(N_CHUNKS):
        pltpu.sync_copy(x_hbm.at[pl.ds(base + j * GATHER_CHUNK, GATHER_CHUNK)],
                        idx_v.at[j])

    for j in range(N_CHUNKS):
        for k in range(GATHER_CHUNK // LANES):
            s = idx_v[j, pl.ds(k * LANES, LANES)]
            rows_v[j, pl.ds(k * LANES, LANES)] = s >> 4
            lanes_v[pl.ds(j * GATHER_CHUNK + k * LANES, LANES)] = s & 15

    copies = [
        pltpu.async_copy(
            p_hbm.at[rows_v.at[j]],
            vals_v.at[pl.ds(j * GATHER_CHUNK, GATHER_CHUNK)],
            sem,
        )
        for j in range(N_CHUNKS)
    ]
    for c in copies:
        c.wait()

    def group_body(g, _):
        b_ids = g * LANES + lax.iota(jnp.int32, LANES)
        lanes = lanes_v[pl.ds(g * LANES, LANES)]
        out_v[pl.ds(g * LANES, LANES)] = plsc.load_gather(vals_v, [b_ids, lanes])
        return 0

    lax.fori_loop(0, GROUPS, group_body, 0)

    pltpu.sync_copy(out_v, out_hbm.at[pl.ds(base, B_PER_W)])


def _sc_gather(p16, x):
    mesh = plsc.VectorSubcoreMesh(core_axis_name="c", subcore_axis_name="s")
    kern = pl.kernel(
        _sc_gather_body,
        out_type=jax.ShapeDtypeStruct((BATCH,), jnp.float32),
        mesh=mesh,
        compiler_params=pltpu.CompilerParams(
            needs_layout_passes=False, use_tc_tiling_on_sc=False
        ),
        scratch_types=[
            pltpu.VMEM((N_CHUNKS, GATHER_CHUNK), jnp.int32),
            pltpu.VMEM((N_CHUNKS, GATHER_CHUNK), jnp.int32),
            pltpu.VMEM((B_PER_W,), jnp.int32),
            pltpu.VMEM((B_PER_W, LANES), jnp.float32),
            pltpu.VMEM((B_PER_W,), jnp.float32),
            pltpu.SemaphoreType.DMA,
        ],
    )
    return kern(p16, x)


@jax.jit
def _run(x, table, W, b):
    tphys = table.T
    w = W.reshape(EMBED_DIM, 1)
    b11 = b.reshape(1, 1).astype(jnp.float32)
    p = _table_dot_w(tphys, w, b11)
    p16 = p.reshape(P_ROWS, LANES)
    idx = x.astype(jnp.int32)
    return _sc_gather(p16, idx)


def kernel(x, table, W, b):
    return _run(x, table, W, b).reshape(BATCH, 1)

# --- scband reference (transcript-rebuilt; emitter-appended) ---
"""Pipeline reference for scband-example-model-77644418777476 (READ-ONLY COPY).

The authoritative reference and input builder live on the scoring server;
editing this copy changes nothing except your own understanding.
"""

import jax, jax.numpy as jnp
import numpy as np

VOCAB = 1000000
EMBED_DIM = 64
BATCH = 16384

def setup_inputs(seed: int = 0) -> dict:
    key = jax.random.key(seed)
    k1, k2, k3, k4 = jax.random.split(key, 4)
    x = jax.random.randint(k1, (BATCH,), 0, VOCAB, dtype=jnp.int64 if jax.config.jax_enable_x64 else jnp.int32)
    table = jax.random.normal(k2, (VOCAB, EMBED_DIM), dtype=jnp.float32)
    W = jax.random.normal(k3, (EMBED_DIM, 1), dtype=jnp.float32) * (1.0 / np.sqrt(EMBED_DIM))
    b = jax.random.normal(k4, (1,), dtype=jnp.float32) * 0.01
    return {"x": x, "table": table, "W": W, "b": b}

def reference(x, table, W, b):
    # nn.Embedding: gather rows
    emb = jnp.take(table, x, axis=0)          # [B, D]
    # nn.Flatten(start_dim=1): [B, D] -> [B, D] (no-op for 2D)
    flat = emb.reshape(emb.shape[0], -1)
    # nn.Linear(D, 1)
    out = flat @ W + b                        # [B, 1]
    return out

if __name__ == "__main__":
    import jax
    _d = setup_inputs()
    print(jax.jit(kernel)(*tuple(_d.values())))

</pallas_src>

<mosaic_0001>
#map = affine_map<(d0, d1) -> (0, 0)>
#map1 = affine_map<(d0, d1) -> (0)>
module attributes {stable_mosaic.version = 14 : i64} {
  func.func @_sc_gather_body(%arg0: i32, %arg1: i32, %arg2: memref<62500x16xf32, #tpu.memory_space<hbm>>, %arg3: memref<16384xi32, #tpu.memory_space<hbm>>, %arg4: memref<16384xf32, #tpu.memory_space<hbm>>, %arg5: memref<4x128xi32, #tpu.memory_space<vmem>>, %arg6: memref<4x128xi32, #tpu.memory_space<vmem>>, %arg7: memref<512xi32, #tpu.memory_space<vmem>>, %arg8: memref<512x16xf32, #tpu.memory_space<vmem>>, %arg9: memref<512xf32, #tpu.memory_space<vmem>>, %arg10: memref<!tpu.dma_semaphore, #tpu.memory_space<semaphore_mem>>) attributes {dimension_semantics = [#tpu.dimension_semantics<core_parallel>, #tpu.dimension_semantics<subcore_parallel>], iteration_bounds = array<i64: 2, 16>, scalar_prefetch = 0 : i64, scratch_operands = 6 : i64, tpu.core_type = #tpu.core_type<sc_vector_subcore>, window_params = [{transform_indices = #map}, {transform_indices = #map1}, {transform_indices = #map1}]} {
    %mul3A = arith.constant 2 : i32
    %mul3A_0 = arith.muli %arg1, %mul3A : i32
    %add3A = arith.addi %mul3A_0, %arg0 : i32
    %mul3A_1 = arith.constant 512 : i32
    %mul3A_2 = arith.muli %add3A, %mul3A_1 : i32
    %add3A_3 = arith.constant 0 : i32
    %add3A_4 = arith.addi %mul3A_2, %add3A_3 : i32
    %run_scoped3A = arith.constant 0 : i32
    "tpu.region"() ({
      %run_scoped3A_606 = tpu.sem_alloc : memref<!tpu.dma_semaphore, #tpu.memory_space<semaphore_mem>>
      %dma_start3A_607 = arith.constant 0 : i32
      %dma_start3A_608 = tpu.memref_slice %arg5[%run_scoped3A, %dma_start3A_607] : memref<4x128xi32, #tpu.memory_space<vmem>> -> memref<1x128xi32, #tpu.memory_space<vmem>>
      %dma_start3A_609 = tpu.memref_squeeze %dma_start3A_608 : memref<1x128xi32, #tpu.memory_space<vmem>> -> memref<128xi32, #tpu.memory_space<vmem>>
      %dma_start3A_610 = tpu.memref_slice %arg3[%add3A_4] : memref<16384xi32, #tpu.memory_space<hbm>> -> memref<128xi32, #tpu.memory_space<hbm>>
      %dma_start3A_611 = arith.constant 0 : i32
      %dma_start3A_612 = tpu.memref_slice %arg5[%run_scoped3A, %dma_start3A_611] : memref<4x128xi32, #tpu.memory_space<vmem>> -> memref<1x128xi32, #tpu.memory_space<vmem>>
      %dma_start3A_613 = tpu.memref_squeeze %dma_start3A_612 : memref<1x128xi32, #tpu.memory_space<vmem>> -> memref<128xi32, #tpu.memory_space<vmem>>
      %dma_start3A_614 = tpu.memref_slice %arg3[%add3A_4] : memref<16384xi32, #tpu.memory_space<hbm>> -> memref<128xi32, #tpu.memory_space<hbm>>
      tpu.enqueue_dma source(%dma_start3A_614 : memref<128xi32, #tpu.memory_space<hbm>>) target(%dma_start3A_613 : memref<128xi32, #tpu.memory_space<vmem>>) target_semaphore(%run_scoped3A_606 : memref<!tpu.dma_semaphore, #tpu.memory_space<semaphore_mem>>)
      %dma_wait3A_615 = arith.constant 0 : i32
      %dma_wait3A_616 = tpu.memref_slice %arg5[%run_scoped3A, %dma_wait3A_615] : memref<4x128xi32, #tpu.memory_space<vmem>> -> memref<1x128xi32, #tpu.memory_space<vmem>>
      %dma_wait3A_617 = tpu.memref_squeeze %dma_wait3A_616 : memref<1x128xi32, #tpu.memory_space<vmem>> -> memref<128xi32, #tpu.memory_space<vmem>>
      %dma_wait3A_618 = tpu.memref_slice %arg3[%add3A_4] : memref<16384xi32, #tpu.memory_space<hbm>> -> memref<128xi32, #tpu.memory_space<hbm>>
      %dma_wait3A_619 = arith.constant 0 : i32
      %dma_wait3A_620 = tpu.memref_slice %arg5[%run_scoped3A, %dma_wait3A_619] : memref<4x128xi32, #tpu.memory_space<vmem>> -> memref<1x128xi32, #tpu.memory_space<vmem>>
      %dma_wait3A_621 = tpu.memref_squeeze %dma_wait3A_620 : memref<1x128xi32, #tpu.memory_space<vmem>> -> memref<128xi32, #tpu.memory_space<vmem>>
      %dma_wait3A_622 = tpu.memref_slice %arg3[%add3A_4] : memref<16384xi32, #tpu.memory_space<hbm>> -> memref<128xi32, #tpu.memory_space<hbm>>
      tpu.wait_dma2 semaphore(%run_scoped3A_606 : memref<!tpu.dma_semaphore, #tpu.memory_space<semaphore_mem>>) src(%dma_wait3A_622 : memref<128xi32, #tpu.memory_space<hbm>>) dst(%dma_wait3A_621 : memref<128xi32, #tpu.memory_space<vmem>>)
      tpu.yield
    }) : () -> ()
    %add3A_5 = arith.constant 128 : i32
    %add3A_6 = arith.addi %mul3A_2, %add3A_5 : i32
    %run_scoped3A_7 = arith.constant 1 : i32
    "tpu.region"() ({
      %run_scoped3A_606 = tpu.sem_alloc : memref<!tpu.dma_semaphore, #tpu.memory_space<semaphore_mem>>
      %dma_start3A_607 = arith.constant 0 : i32
      %dma_start3A_608 = tpu.memref_slice %arg5[%run_scoped3A_7, %dma_start3A_607] : memref<4x128xi32, #tpu.memory_space<vmem>> -> memref<1x128xi32, #tpu.memory_space<vmem>>
      %dma_start3A_609 = tpu.memref_squeeze %dma_start3A_608 : memref<1x128xi32, #tpu.memory_space<vmem>> -> memref<128xi32, #tpu.memory_space<vmem>>
      %dma_start3A_610 = tpu.memref_slice %arg3[%add3A_6] : memref<16384xi32, #tpu.memory_space<hbm>> -> memref<128xi32, #tpu.memory_space<hbm>>
      %dma_start3A_611 = arith.constant 0 : i32
      %dma_start3A_612 = tpu.memref_slice %arg5[%run_scoped3A_7, %dma_start3A_611] : memref<4x128xi32, #tpu.memory_space<vmem>> -> memref<1x128xi32, #tpu.memory_space<vmem>>
      %dma_start3A_613 = tpu.memref_squeeze %dma_start3A_612 : memref<1x128xi32, #tpu.memory_space<vmem>> -> memref<128xi32, #tpu.memory_space<vmem>>
      %dma_start3A_614 = tpu.memref_slice %arg3[%add3A_6] : memref<16384xi32, #tpu.memory_space<hbm>> -> memref<128xi32, #tpu.memory_space<hbm>>
      tpu.enqueue_dma source(%dma_start3A_614 : memref<128xi32, #tpu.memory_space<hbm>>) target(%dma_start3A_613 : memref<128xi32, #tpu.memory_space<vmem>>) target_semaphore(%run_scoped3A_606 : memref<!tpu.dma_semaphore, #tpu.memory_space<semaphore_mem>>)
      %dma_wait3A_615 = arith.constant 0 : i32
      %dma_wait3A_616 = tpu.memref_slice %arg5[%run_scoped3A_7, %dma_wait3A_615] : memref<4x128xi32, #tpu.memory_space<vmem>> -> memref<1x128xi32, #tpu.memory_space<vmem>>
      %dma_wait3A_617 = tpu.memref_squeeze %dma_wait3A_616 : memref<1x128xi32, #tpu.memory_space<vmem>> -> memref<128xi32, #tpu.memory_space<vmem>>
      %dma_wait3A_618 = tpu.memref_slice %arg3[%add3A_6] : memref<16384xi32, #tpu.memory_space<hbm>> -> memref<128xi32, #tpu.memory_space<hbm>>
      %dma_wait3A_619 = arith.constant 0 : i32
      %dma_wait3A_620 = tpu.memref_slice %arg5[%run_scoped3A_7, %dma_wait3A_619] : memref<4x128xi32, #tpu.memory_space<vmem>> -> memref<1x128xi32, #tpu.memory_space<vmem>>
      %dma_wait3A_621 = tpu.memref_squeeze %dma_wait3A_620 : memref<1x128xi32, #tpu.memory_space<vmem>> -> memref<128xi32, #tpu.memory_space<vmem>>
      %dma_wait3A_622 = tpu.memref_slice %arg3[%add3A_6] : memref<16384xi32, #tpu.memory_space<hbm>> -> memref<128xi32, #tpu.memory_space<hbm>>
      tpu.wait_dma2 semaphore(%run_scoped3A_606 : memref<!tpu.dma_semaphore, #tpu.memory_space<semaphore_mem>>) src(%dma_wait3A_622 : memref<128xi32, #tpu.memory_space<hbm>>) dst(%dma_wait3A_621 : memref<128xi32, #tpu.memory_space<vmem>>)
      tpu.yield
    }) : () -> ()
    %add3A_8 = arith.constant 256 : i32
    %add3A_9 = arith.addi %mul3A_2, %add3A_8 : i32
    %run_scoped3A_10 = arith.constant 2 : i32
    "tpu.region"() ({
      %run_scoped3A_606 = tpu.sem_alloc : memref<!tpu.dma_semaphore, #tpu.memory_space<semaphore_mem>>
      %dma_start3A_607 = arith.constant 0 : i32
      %dma_start3A_608 = tpu.memref_slice %arg5[%run_scoped3A_10, %dma_start3A_607] : memref<4x128xi32, #tpu.memory_space<vmem>> -> memref<1x128xi32, #tpu.memory_space<vmem>>
      %dma_start3A_609 = tpu.memref_squeeze %dma_start3A_608 : memref<1x128xi32, #tpu.memory_space<vmem>> -> memref<128xi32, #tpu.memory_space<vmem>>
      %dma_start3A_610 = tpu.memref_slice %arg3[%add3A_9] : memref<16384xi32, #tpu.memory_space<hbm>> -> memref<128xi32, #tpu.memory_space<hbm>>
      %dma_start3A_611 = arith.constant 0 : i32
      %dma_start3A_612 = tpu.memref_slice %arg5[%run_scoped3A_10, %dma_start3A_611] : memref<4x128xi32, #tpu.memory_space<vmem>> -> memref<1x128xi32, #tpu.memory_space<vmem>>
      %dma_start3A_613 = tpu.memref_squeeze %dma_start3A_612 : memref<1x128xi32, #tpu.memory_space<vmem>> -> memref<128xi32, #tpu.memory_space<vmem>>
      %dma_start3A_614 = tpu.memref_slice %arg3[%add3A_9] : memref<16384xi32, #tpu.memory_space<hbm>> -> memref<128xi32, #tpu.memory_space<hbm>>
      tpu.enqueue_dma source(%dma_start3A_614 : memref<128xi32, #tpu.memory_space<hbm>>) target(%dma_start3A_613 : memref<128xi32, #tpu.memory_space<vmem>>) target_semaphore(%run_scoped3A_606 : memref<!tpu.dma_semaphore, #tpu.memory_space<semaphore_mem>>)
      %dma_wait3A_615 = arith.constant 0 : i32
      %dma_wait3A_616 = tpu.memref_slice %arg5[%run_scoped3A_10, %dma_wait3A_615] : memref<4x128xi32, #tpu.memory_space<vmem>> -> memref<1x128xi32, #tpu.memory_space<vmem>>
      %dma_wait3A_617 = tpu.memref_squeeze %dma_wait3A_616 : memref<1x128xi32, #tpu.memory_space<vmem>> -> memref<128xi32, #tpu.memory_space<vmem>>
      %dma_wait3A_618 = tpu.memref_slice %arg3[%add3A_9] : memref<16384xi32, #tpu.memory_space<hbm>> -> memref<128xi32, #tpu.memory_space<hbm>>
      %dma_wait3A_619 = arith.constant 0 : i32
      %dma_wait3A_620 = tpu.memref_slice %arg5[%run_scoped3A_10, %dma_wait3A_619] : memref<4x128xi32, #tpu.memory_space<vmem>> -> memref<1x128xi32, #tpu.memory_space<vmem>>
      %dma_wait3A_621 = tpu.memref_squeeze %dma_wait3A_620 : memref<1x128xi32, #tpu.memory_space<vmem>> -> memref<128xi32, #tpu.memory_space<vmem>>
      %dma_wait3A_622 = tpu.memref_slice %arg3[%add3A_9] : memref<16384xi32, #tpu.memory_space<hbm>> -> memref<128xi32, #tpu.memory_space<hbm>>
      tpu.wait_dma2 semaphore(%run_scoped3A_606 : memref<!tpu.dma_semaphore, #tpu.memory_space<semaphore_mem>>) src(%dma_wait3A_622 : memref<128xi32, #tpu.memory_space<hbm>>) dst(%dma_wait3A_621 : memref<128xi32, #tpu.memory_space<vmem>>)
      tpu.yield
    }) : () -> ()
    %add3A_11 = arith.constant 384 : i32
    %add3A_12 = arith.addi %mul3A_2, %add3A_11 : i32
    %run_scoped3A_13 = arith.constant 3 : i32
    "tpu.region"() ({
      %run_scoped3A_606 = tpu.sem_alloc : memref<!tpu.dma_semaphore, #tpu.memory_space<semaphore_mem>>
      %dma_start3A_607 = arith.constant 0 : i32
      %dma_start3A_608 = tpu.memref_slice %arg5[%run_scoped3A_13, %dma_start3A_607] : memref<4x128xi32, #tpu.memory_space<vmem>> -> memref<1x128xi32, #tpu.memory_space<vmem>>
      %dma_start3A_609 = tpu.memref_squeeze %dma_start3A_608 : memref<1x128xi32, #tpu.memory_space<vmem>> -> memref<128xi32, #tpu.memory_space<vmem>>
      %dma_start3A_610 = tpu.memref_slice %arg3[%add3A_12] : memref<16384xi32, #tpu.memory_space<hbm>> -> memref<128xi32, #tpu.memory_space<hbm>>
      %dma_start3A_611 = arith.constant 0 : i32
      %dma_start3A_612 = tpu.memref_slice %arg5[%run_scoped3A_13, %dma_start3A_611] : memref<4x128xi32, #tpu.memory_space<vmem>> -> memref<1x128xi32, #tpu.memory_space<vmem>>
      %dma_start3A_613 = tpu.memref_squeeze %dma_start3A_612 : memref<1x128xi32, #tpu.memory_space<vmem>> -> memref<128xi32, #tpu.memory_space<vmem>>
      %dma_start3A_614 = tpu.memref_slice %arg3[%add3A_12] : memref<16384xi32, #tpu.memory_space<hbm>> -> memref<128xi32, #tpu.memory_space<hbm>>
      tpu.enqueue_dma source(%dma_start3A_614 : memref<128xi32, #tpu.memory_space<hbm>>) target(%dma_start3A_613 : memref<128xi32, #tpu.memory_space<vmem>>) target_semaphore(%run_scoped3A_606 : memref<!tpu.dma_semaphore, #tpu.memory_space<semaphore_mem>>)
      %dma_wait3A_615 = arith.constant 0 : i32
      %dma_wait3A_616 = tpu.memref_slice %arg5[%run_scoped3A_13, %dma_wait3A_615] : memref<4x128xi32, #tpu.memory_space<vmem>> -> memref<1x128xi32, #tpu.memory_space<vmem>>
      %dma_wait3A_617 = tpu.memref_squeeze %dma_wait3A_616 : memref<1x128xi32, #tpu.memory_space<vmem>> -> memref<128xi32, #tpu.memory_space<vmem>>
      %dma_wait3A_618 = tpu.memref_slice %arg3[%add3A_12] : memref<16384xi32, #tpu.memory_space<hbm>> -> memref<128xi32, #tpu.memory_space<hbm>>
      %dma_wait3A_619 = arith.constant 0 : i32
      %dma_wait3A_620 = tpu.memref_slice %arg5[%run_scoped3A_13, %dma_wait3A_619] : memref<4x128xi32, #tpu.memory_space<vmem>> -> memref<1x128xi32, #tpu.memory_space<vmem>>
      %dma_wait3A_621 = tpu.memref_squeeze %dma_wait3A_620 : memref<1x128xi32, #tpu.memory_space<vmem>> -> memref<128xi32, #tpu.memory_space<vmem>>
      %dma_wait3A_622 = tpu.memref_slice %arg3[%add3A_12] : memref<16384xi32, #tpu.memory_space<hbm>> -> memref<128xi32, #tpu.memory_space<hbm>>
      tpu.wait_dma2 semaphore(%run_scoped3A_606 : memref<!tpu.dma_semaphore, #tpu.memory_space<semaphore_mem>>) src(%dma_wait3A_622 : memref<128xi32, #tpu.memory_space<hbm>>) dst(%dma_wait3A_621 : memref<128xi32, #tpu.memory_space<vmem>>)
      tpu.yield
    }) : () -> ()
    %get3A = arith.constant 0 : i32
    %get3A_14 = arith.index_cast %get3A : i32 to index
    %get3A_15 = arith.constant 0 : index
    %get3A_16 = tpu.vector_load %arg5[%get3A_14, %get3A_15] {strides = array<i32>} : memref<4x128xi32, #tpu.memory_space<vmem>>, vector<16xi32>,
    %shift_right_arithmetic3A = arith.constant 4 : i32
    %shift_right_arithmetic3A_17 = vector.broadcast %shift_right_arithmetic3A : i32 to vector<16xi32>
    %shift_right_arithmetic3A_18 = arith.shrsi %get3A_16, %shift_right_arithmetic3A_17 : vector<16xi32>
    %swap3A = arith.constant 0 : i32
    %swap3A_19 = arith.index_cast %swap3A : i32 to index
    %swap3A_20 = arith.constant 0 : index
    %swap3A_21 = tpu.vector_load %arg6[%swap3A_19, %swap3A_20] {strides = array<i32>} : memref<4x128xi32, #tpu.memory_space<vmem>>, vector<16xi32>,
    tpu.vector_store %arg6[%swap3A_19, %swap3A_20], %shift_right_arithmetic3A_18 {strides = array<i32>} : memref<4x128xi32, #tpu.memory_space<vmem>>, vector<16xi32>,
    %and3A = arith.constant 15 : i32
    %and3A_22 = vector.broadcast %and3A : i32 to vector<16xi32>
    %and3A_23 = arith.andi %get3A_16, %and3A_22 : vector<16xi32>
    %swap3A_24 = arith.constant 0 : index
    %swap3A_25 = tpu.vector_load %arg7[%swap3A_24] {strides = array<i32>} : memref<512xi32, #tpu.memory_space<vmem>>, vector<16xi32>,
    tpu.vector_store %arg7[%swap3A_24], %and3A_23 {strides = array<i32>} : memref<512xi32, #tpu.memory_space<vmem>>, vector<16xi32>,
    %get3A_26 = arith.constant 0 : i32
    %get3A_27 = arith.index_cast %get3A_26 : i32 to index
    %get3A_28 = arith.constant 16 : index
    %get3A_29 = tpu.vector_load %arg5[%get3A_27, %get3A_28] {strides = array<i32>} : memref<4x128xi32, #tpu.memory_space<vmem>>, vector<16xi32>,
    %shift_right_arithmetic3A_30 = arith.constant 4 : i32
    %shift_right_arithmetic3A_31 = vector.broadcast %shift_right_arithmetic3A_30 : i32 to vector<16xi32>
    %shift_right_arithmetic3A_32 = arith.shrsi %get3A_29, %shift_right_arithmetic3A_31 : vector<16xi32>
    %swap3A_33 = arith.constant 0 : i32
    %swap3A_34 = arith.index_cast %swap3A_33 : i32 to index
    %swap3A_35 = arith.constant 16 : index
    %swap3A_36 = tpu.vector_load %arg6[%swap3A_34, %swap3A_35] {strides = array<i32>} : memref<4x128xi32, #tpu.memory_space<vmem>>, vector<16xi32>,
    tpu.vector_store %arg6[%swap3A_34, %swap3A_35], %shift_right_arithmetic3A_32 {strides = array<i32>} : memref<4x128xi32, #tpu.memory_space<vmem>>, vector<16xi32>,
    %and3A_37 = arith.constant 15 : i32
    %and3A_38 = vector.broadcast %and3A_37 : i32 to vector<16xi32>
    %and3A_39 = arith.andi %get3A_29, %and3A_38 : vector<16xi32>
    %swap3A_40 = arith.constant 16 : index
    %swap3A_41 = tpu.vector_load %arg7[%swap3A_40] {strides = array<i32>} : memref<512xi32, #tpu.memory_space<vmem>>, vector<16xi32>,
    tpu.vector_store %arg7[%swap3A_40], %and3A_39 {strides = array<i32>} : memref<512xi32, #tpu.memory_space<vmem>>, vector<16xi32>,
    %get3A_42 = arith.constant 0 : i32
    %get3A_43 = arith.index_cast %get3A_42 : i32 to index
    %get3A_44 = arith.constant 32 : index
    %get3A_45 = tpu.vector_load %arg5[%get3A_43, %get3A_44] {strides = array<i32>} : memref<4x128xi32, #tpu.memory_space<vmem>>, vector<16xi32>,
    %shift_right_arithmetic3A_46 = arith.constant 4 : i32
    %shift_right_arithmetic3A_47 = vector.broadcast %shift_right_arithmetic3A_46 : i32 to vector<16xi32>
    %shift_right_arithmetic3A_48 = arith.shrsi %get3A_45, %shift_right_arithmetic3A_47 : vector<16xi32>
    %swap3A_49 = arith.constant 0 : i32
    %swap3A_50 = arith.index_cast %swap3A_49 : i32 to index
    %swap3A_51 = arith.constant 32 : index
    %swap3A_52 = tpu.vector_load %arg6[%swap3A_50, %swap3A_51] {strides = array<i32>} : memref<4x128xi32, #tpu.memory_space<vmem>>, vector<16xi32>,
    tpu.vector_store %arg6[%swap3A_50, %swap3A_51], %shift_right_arithmetic3A_48 {strides = array<i32>} : memref<4x128xi32, #tpu.memory_space<vmem>>, vector<16xi32>,
    %and3A_53 = arith.constant 15 : i32
    %and3A_54 = vector.broadcast %and3A_53 : i32 to vector<16xi32>
    %and3A_55 = arith.andi %get3A_45, %and3A_54 : vector<16xi32>
    %swap3A_56 = arith.constant 32 : index
    %swap3A_57 = tpu.vector_load %arg7[%swap3A_56] {strides = array<i32>} : memref<512xi32, #tpu.memory_space<vmem>>, vector<16xi32>,
    tpu.vector_store %arg7[%swap3A_56], %and3A_55 {strides = array<i32>} : memref<512xi32, #tpu.memory_space<vmem>>, vector<16xi32>,
    %get3A_58 = arith.constant 0 : i32
    %get3A_59 = arith.index_cast %get3A_58 : i32 to index
    %get3A_60 = arith.constant 48 : index
    %get3A_61 = tpu.vector_load %arg5[%get3A_59, %get3A_60] {strides = array<i32>} : memref<4x128xi32, #tpu.memory_space<vmem>>, vector<16xi32>,
    %shift_right_arithmetic3A_62 = arith.constant 4 : i32
    %shift_right_arithmetic3A_63 = vector.broadcast %shift_right_arithmetic3A_62 : i32 to vector<16xi32>
    %shift_right_arithmetic3A_64 = arith.shrsi %get3A_61, %shift_right_arithmetic3A_63 : vector<16xi32>
    %swap3A_65 = arith.constant 0 : i32
    %swap3A_66 = arith.index_cast %swap3A_65 : i32 to index
    %swap3A_67 = arith.constant 48 : index
    %swap3A_68 = tpu.vector_load %arg6[%swap3A_66, %swap3A_67] {strides = array<i32>} : memref<4x128xi32, #tpu.memory_space<vmem>>, vector<16xi32>,
    tpu.vector_store %arg6[%swap3A_66, %swap3A_67], %shift_right_arithmetic3A_64 {strides = array<i32>} : memref<4x128xi32, #tpu.memory_space<vmem>>, vector<16xi32>,
    %and3A_69 = arith.constant 15 : i32
    %and3A_70 = vector.broadcast %and3A_69 : i32 to vector<16xi32>
    %and3A_71 = arith.andi %get3A_61, %and3A_70 : vector<16xi32>
    %swap3A_72 = arith.constant 48 : index
    %swap3A_73 = tpu.vector_load %arg7[%swap3A_72] {strides = array<i32>} : memref<512xi32, #tpu.memory_space<vmem>>, vector<16xi32>,
    tpu.vector_store %arg7[%swap3A_72], %and3A_71 {strides = array<i32>} : memref<512xi32, #tpu.memory_space<vmem>>, vector<16xi32>,
    %get3A_74 = arith.constant 0 : i32
    %get3A_75 = arith.index_cast %get3A_74 : i32 to index
    %get3A_76 = arith.constant 64 : index
    %get3A_77 = tpu.vector_load %arg5[%get3A_75, %get3A_76] {strides = array<i32>} : memref<4x128xi32, #tpu.memory_space<vmem>>, vector<16xi32>,
    %shift_right_arithmetic3A_78 = arith.constant 4 : i32
    %shift_right_arithmetic3A_79 = vector.broadcast %shift_right_arithmetic3A_78 : i32 to vector<16xi32>
    %shift_right_arithmetic3A_80 = arith.shrsi %get3A_77, %shift_right_arithmetic3A_79 : vector<16xi32>
    %swap3A_81 = arith.constant 0 : i32
    %swap3A_82 = arith.index_cast %swap3A_81 : i32 to index
    %swap3A_83 = arith.constant 64 : index
    %swap3A_84 = tpu.vector_load %arg6[%swap3A_82, %swap3A_83] {strides = array<i32>} : memref<4x128xi32, #tpu.memory_space<vmem>>, vector<16xi32>,
    tpu.vector_store %arg6[%swap3A_82, %swap3A_83], %shift_right_arithmetic3A_80 {strides = array<i32>} : memref<4x128xi32, #tpu.memory_space<vmem>>, vector<16xi32>,
    %and3A_85 = arith.constant 15 : i32
    %and3A_86 = vector.broadcast %and3A_85 : i32 to vector<16xi32>
    %and3A_87 = arith.andi %get3A_77, %and3A_86 : vector<16xi32>
    %swap3A_88 = arith.constant 64 : index
    %swap3A_89 = tpu.vector_load %arg7[%swap3A_88] {strides = array<i32>} : memref<512xi32, #tpu.memory_space<vmem>>, vector<16xi32>,
    tpu.vector_store %arg7[%swap3A_88], %and3A_87 {strides = array<i32>} : memref<512xi32, #tpu.memory_space<vmem>>, vector<16xi32>,
    %get3A_90 = arith.constant 0 : i32
    %get3A_91 = arith.index_cast %get3A_90 : i32 to index
    %get3A_92 = arith.constant 80 : index
    %get3A_93 = tpu.vector_load %arg5[%get3A_91, %get3A_92] {strides = array<i32>} : memref<4x128xi32, #tpu.memory_space<vmem>>, vector<16xi32>,
    %shift_right_arithmetic3A_94 = arith.constant 4 : i32
    %shift_right_arithmetic3A_95 = vector.broadcast %shift_right_arithmetic3A_94 : i32 to vector<16xi32>
    %shift_right_arithmetic3A_96 = arith.shrsi %get3A_93, %shift_right_arithmetic3A_95 : vector<16xi32>
    %swap3A_97 = arith.constant 0 : i32
    %swap3A_98 = arith.index_cast %swap3A_97 : i32 to index
    %swap3A_99 = arith.constant 80 : index
    %swap3A_100 = tpu.vector_load %arg6[%swap3A_98, %swap3A_99] {strides = array<i32>} : memref<4x128xi32, #tpu.memory_space<vmem>>, vector<16xi32>,
    tpu.vector_store %arg6[%swap3A_98, %swap3A_99], %shift_right_arithmetic3A_96 {strides = array<i32>} : memref<4x128xi32, #tpu.memory_space<vmem>>, vector<16xi32>,
    %and3A_101 = arith.constant 15 : i32
    %and3A_102 = vector.broadcast %and3A_101 : i32 to vector<16xi32>
    %and3A_103 = arith.andi %get3A_93, %and3A_102 : vector<16xi32>
    %swap3A_104 = arith.constant 80 : index
    %swap3A_105 = tpu.vector_load %arg7[%swap3A_104] {strides = array<i32>} : memref<512xi32, #tpu.memory_space<vmem>>, vector<16xi32>,
    tpu.vector_store %arg7[%swap3A_104], %and3A_103 {strides = array<i32>} : memref<512xi32, #tpu.memory_space<vmem>>, vector<16xi32>,
    %get3A_106 = arith.constant 0 : i32
    %get3A_107 = arith.index_cast %get3A_106 : i32 to index
    %get3A_108 = arith.constant 96 : index
    %get3A_109 = tpu.vector_load %arg5[%get3A_107, %get3A_108] {strides = array<i32>} : memref<4x128xi32, #tpu.memory_space<vmem>>, vector<16xi32>,
    %shift_right_arithmetic3A_110 = arith.constant 4 : i32
    %shift_right_arithmetic3A_111 = vector.broadcast %shift_right_arithmetic3A_110 : i32 to vector<16xi32>
    %shift_right_arithmetic3A_112 = arith.shrsi %get3A_109, %shift_right_arithmetic3A_111 : vector<16xi32>
    %swap3A_113 = arith.constant 0 : i32
    %swap3A_114 = arith.index_cast %swap3A_113 : i32 to index
    %swap3A_115 = arith.constant 96 : index
    %swap3A_116 = tpu.vector_load %arg6[%swap3A_114, %swap3A_115] {strides = array<i32>} : memref<4x128xi32, #tpu.memory_space<vmem>>, vector<16xi32>,
    tpu.vector_store %arg6[%swap3A_114, %swap3A_115], %shift_right_arithmetic3A_112 {strides = array<i32>} : memref<4x128xi32, #tpu.memory_space<vmem>>, vector<16xi32>,
    %and3A_117 = arith.constant 15 : i32
    %and3A_118 = vector.broadcast %and3A_117 : i32 to vector<16xi32>
    %and3A_119 = arith.andi %get3A_109, %and3A_118 : vector<16xi32>
    %swap3A_120 = arith.constant 96 : index
    %swap3A_121 = tpu.vector_load %arg7[%swap3A_120] {strides = array<i32>} : memref<512xi32, #tpu.memory_space<vmem>>, vector<16xi32>,
    tpu.vector_store %arg7[%swap3A_120], %and3A_119 {strides = array<i32>} : memref<512xi32, #tpu.memory_space<vmem>>, vector<16xi32>,
    %get3A_122 = arith.constant 0 : i32
    %get3A_123 = arith.index_cast %get3A_122 : i32 to index
    %get3A_124 = arith.constant 112 : index
    %get3A_125 = tpu.vector_load %arg5[%get3A_123, %get3A_124] {strides = array<i32>} : memref<4x128xi32, #tpu.memory_space<vmem>>, vector<16xi32>,
    %shift_right_arithmetic3A_126 = arith.constant 4 : i32
    %shift_right_arithmetic3A_127 = vector.broadcast %shift_right_arithmetic3A_126 : i32 to vector<16xi32>
    %shift_right_arithmetic3A_128 = arith.shrsi %get3A_125, %shift_right_arithmetic3A_127 : vector<16xi32>
    %swap3A_129 = arith.constant 0 : i32
    %swap3A_130 = arith.index_cast %swap3A_129 : i32 to index
    %swap3A_131 = arith.constant 112 : index
    %swap3A_132 = tpu.vector_load %arg6[%swap3A_130, %swap3A_131] {strides = array<i32>} : memref<4x128xi32, #tpu.memory_space<vmem>>, vector<16xi32>,
    tpu.vector_store %arg6[%swap3A_130, %swap3A_131], %shift_right_arithmetic3A_128 {strides = array<i32>} : memref<4x128xi32, #tpu.memory_space<vmem>>, vector<16xi32>,
    %and3A_133 = arith.constant 15 : i32
    %and3A_134 = vector.broadcast %and3A_133 : i32 to vector<16xi32>
    %and3A_135 = arith.andi %get3A_125, %and3A_134 : vector<16xi32>
    %swap3A_136 = arith.constant 112 : index
    %swap3A_137 = tpu.vector_load %arg7[%swap3A_136] {strides = array<i32>} : memref<512xi32, #tpu.memory_space<vmem>>, vector<16xi32>,
    tpu.vector_store %arg7[%swap3A_136], %and3A_135 {strides = array<i32>} : memref<512xi32, #tpu.memory_space<vmem>>, vector<16xi32>,
    %get3A_138 = arith.constant 1 : i32
    %get3A_139 = arith.index_cast %get3A_138 : i32 to index
    %get3A_140 = arith.constant 0 : index
    %get3A_141 = tpu.vector_load %arg5[%get3A_139, %get3A_140] {strides = array<i32>} : memref<4x128xi32, #tpu.memory_space<vmem>>, vector<16xi32>,
    %shift_right_arithmetic3A_142 = arith.constant 4 : i32
    %shift_right_arithmetic3A_143 = vector.broadcast %shift_right_arithmetic3A_142 : i32 to vector<16xi32>
    %shift_right_arithmetic3A_144 = arith.shrsi %get3A_141, %shift_right_arithmetic3A_143 : vector<16xi32>
    %swap3A_145 = arith.constant 1 : i32
    %swap3A_146 = arith.index_cast %swap3A_145 : i32 to index
    %swap3A_147 = arith.constant 0 : index
    %swap3A_148 = tpu.vector_load %arg6[%swap3A_146, %swap3A_147] {strides = array<i32>} : memref<4x128xi32, #tpu.memory_space<vmem>>, vector<16xi32>,
    tpu.vector_store %arg6[%swap3A_146, %swap3A_147], %shift_right_arithmetic3A_144 {strides = array<i32>} : memref<4x128xi32, #tpu.memory_space<vmem>>, vector<16xi32>,
    %and3A_149 = arith.constant 15 : i32
    %and3A_150 = vector.broadcast %and3A_149 : i32 to vector<16xi32>
    %and3A_151 = arith.andi %get3A_141, %and3A_150 : vector<16xi32>
    %swap3A_152 = arith.constant 128 : index
    %swap3A_153 = tpu.vector_load %arg7[%swap3A_152] {strides = array<i32>} : memref<512xi32, #tpu.memory_space<vmem>>, vector<16xi32>,
    tpu.vector_store %arg7[%swap3A_152], %and3A_151 {strides = array<i32>} : memref<512xi32, #tpu.memory_space<vmem>>, vector<16xi32>,
    %get3A_154 = arith.constant 1 : i32
    %get3A_155 = arith.index_cast %get3A_154 : i32 to index
    %get3A_156 = arith.constant 16 : index
    %get3A_157 = tpu.vector_load %arg5[%get3A_155, %get3A_156] {strides = array<i32>} : memref<4x128xi32, #tpu.memory_space<vmem>>, vector<16xi32>,
    %shift_right_arithmetic3A_158 = arith.constant 4 : i32
    %shift_right_arithmetic3A_159 = vector.broadcast %shift_right_arithmetic3A_158 : i32 to vector<16xi32>
    %shift_right_arithmetic3A_160 = arith.shrsi %get3A_157, %shift_right_arithmetic3A_159 : vector<16xi32>
    %swap3A_161 = arith.constant 1 : i32
    %swap3A_162 = arith.index_cast %swap3A_161 : i32 to index
    %swap3A_163 = arith.constant 16 : index
    %swap3A_164 = tpu.vector_load %arg6[%swap3A_162, %swap3A_163] {strides = array<i32>} : memref<4x128xi32, #tpu.memory_space<vmem>>, vector<16xi32>,
    tpu.vector_store %arg6[%swap3A_162, %swap3A_163], %shift_right_arithmetic3A_160 {strides = array<i32>} : memref<4x128xi32, #tpu.memory_space<vmem>>, vector<16xi32>,
    %and3A_165 = arith.constant 15 : i32
    %and3A_166 = vector.broadcast %and3A_165 : i32 to vector<16xi32>
    %and3A_167 = arith.andi %get3A_157, %and3A_166 : vector<16xi32>
    %swap3A_168 = arith.constant 144 : index
    %swap3A_169 = tpu.vector_load %arg7[%swap3A_168] {strides = array<i32>} : memref<512xi32, #tpu.memory_space<vmem>>, vector<16xi32>,
    tpu.vector_store %arg7[%swap3A_168], %and3A_167 {strides = array<i32>} : memref<512xi32, #tpu.memory_space<vmem>>, vector<16xi32>,
    %get3A_170 = arith.constant 1 : i32
    %get3A_171 = arith.index_cast %get3A_170 : i32 to index
    %get3A_172 = arith.constant 32 : index
    %get3A_173 = tpu.vector_load %arg5[%get3A_171, %get3A_172] {strides = array<i32>} : memref<4x128xi32, #tpu.memory_space<vmem>>, vector<16xi32>,
    %shift_right_arithmetic3A_174 = arith.constant 4 : i32
    %shift_right_arithmetic3A_175 = vector.broadcast %shift_right_arithmetic3A_174 : i32 to vector<16xi32>
    %shift_right_arithmetic3A_176 = arith.shrsi %get3A_173, %shift_right_arithmetic3A_175 : vector<16xi32>
    %swap3A_177 = arith.constant 1 : i32
    %swap3A_178 = arith.index_cast %swap3A_177 : i32 to index
    %swap3A_179 = arith.constant 32 : index
    %swap3A_180 = tpu.vector_load %arg6[%swap3A_178, %swap3A_179] {strides = array<i32>} : memref<4x128xi32, #tpu.memory_space<vmem>>, vector<16xi32>,
    tpu.vector_store %arg6[%swap3A_178, %swap3A_179], %shift_right_arithmetic3A_176 {strides = array<i32>} : memref<4x128xi32, #tpu.memory_space<vmem>>, vector<16xi32>,
    %and3A_181 = arith.constant 15 : i32
    %and3A_182 = vector.broadcast %and3A_181 : i32 to vector<16xi32>
    %and3A_183 = arith.andi %get3A_173, %and3A_182 : vector<16xi32>
    %swap3A_184 = arith.constant 160 : index
    %swap3A_185 = tpu.vector_load %arg7[%swap3A_184] {strides = array<i32>} : memref<512xi32, #tpu.memory_space<vmem>>, vector<16xi32>,
    tpu.vector_store %arg7[%swap3A_184], %and3A_183 {strides = array<i32>} : memref<512xi32, #tpu.memory_space<vmem>>, vector<16xi32>,
    %get3A_186 = arith.constant 1 : i32
    %get3A_187 = arith.index_cast %get3A_186 : i32 to index
    %get3A_188 = arith.constant 48 : index
    %get3A_189 = tpu.vector_load %arg5[%get3A_187, %get3A_188] {strides = array<i32>} : memref<4x128xi32, #tpu.memory_space<vmem>>, vector<16xi32>,
    %shift_right_arithmetic3A_190 = arith.constant 4 : i32
    %shift_right_arithmetic3A_191 = vector.broadcast %shift_right_arithmetic3A_190 : i32 to vector<16xi32>
    %shift_right_arithmetic3A_192 = arith.shrsi %get3A_189, %shift_right_arithmetic3A_191 : vector<16xi32>
    %swap3A_193 = arith.constant 1 : i32
    %swap3A_194 = arith.index_cast %swap3A_193 : i32 to index
    %swap3A_195 = arith.constant 48 : index
    %swap3A_196 = tpu.vector_load %arg6[%swap3A_194, %swap3A_195] {strides = array<i32>} : memref<4x128xi32, #tpu.memory_space<vmem>>, vector<16xi32>,
    tpu.vector_store %arg6[%swap3A_194, %swap3A_195], %shift_right_arithmetic3A_192 {strides = array<i32>} : memref<4x128xi32, #tpu.memory_space<vmem>>, vector<16xi32>,
    %and3A_197 = arith.constant 15 : i32
    %and3A_198 = vector.broadcast %and3A_197 : i32 to vector<16xi32>
    %and3A_199 = arith.andi %get3A_189, %and3A_198 : vector<16xi32>
    %swap3A_200 = arith.constant 176 : index
    %swap3A_201 = tpu.vector_load %arg7[%swap3A_200] {strides = array<i32>} : memref<512xi32, #tpu.memory_space<vmem>>, vector<16xi32>,
    tpu.vector_store %arg7[%swap3A_200], %and3A_199 {strides = array<i32>} : memref<512xi32, #tpu.memory_space<vmem>>, vector<16xi32>,
    %get3A_202 = arith.constant 1 : i32
    %get3A_203 = arith.index_cast %get3A_202 : i32 to index
    %get3A_204 = arith.constant 64 : index
    %get3A_205 = tpu.vector_load %arg5[%get3A_203, %get3A_204] {strides = array<i32>} : memref<4x128xi32, #tpu.memory_space<vmem>>, vector<16xi32>,
    %shift_right_arithmetic3A_206 = arith.constant 4 : i32
    %shift_right_arithmetic3A_207 = vector.broadcast %shift_right_arithmetic3A_206 : i32 to vector<16xi32>
    %shift_right_arithmetic3A_208 = arith.shrsi %get3A_205, %shift_right_arithmetic3A_207 : vector<16xi32>
    %swap3A_209 = arith.constant 1 : i32
    %swap3A_210 = arith.index_cast %swap3A_209 : i32 to index
    %swap3A_211 = arith.constant 64 : index
    %swap3A_212 = tpu.vector_load %arg6[%swap3A_210, %swap3A_211] {strides = array<i32>} : memref<4x128xi32, #tpu.memory_space<vmem>>, vector<16xi32>,
    tpu.vector_store %arg6[%swap3A_210, %swap3A_211], %shift_right_arithmetic3A_208 {strides = array<i32>} : memref<4x128xi32, #tpu.memory_space<vmem>>, vector<16xi32>,
    %and3A_213 = arith.constant 15 : i32
    %and3A_214 = vector.broadcast %and3A_213 : i32 to vector<16xi32>
    %and3A_215 = arith.andi %get3A_205, %and3A_214 : vector<16xi32>
    %swap3A_216 = arith.constant 192 : index
    %swap3A_217 = tpu.vector_load %arg7[%swap3A_216] {strides = array<i32>} : memref<512xi32, #tpu.memory_space<vmem>>, vector<16xi32>,
    tpu.vector_store %arg7[%swap3A_216], %and3A_215 {strides = array<i32>} : memref<512xi32, #tpu.memory_space<vmem>>, vector<16xi32>,
    %get3A_218 = arith.constant 1 : i32
    %get3A_219 = arith.index_cast %get3A_218 : i32 to index
    %get3A_220 = arith.constant 80 : index
    %get3A_221 = tpu.vector_load %arg5[%get3A_219, %get3A_220] {strides = array<i32>} : memref<4x128xi32, #tpu.memory_space<vmem>>, vector<16xi32>,
    %shift_right_arithmetic3A_222 = arith.constant 4 : i32
    %shift_right_arithmetic3A_223 = vector.broadcast %shift_right_arithmetic3A_222 : i32 to vector<16xi32>
    %shift_right_arithmetic3A_224 = arith.shrsi %get3A_221, %shift_right_arithmetic3A_223 : vector<16xi32>
    %swap3A_225 = arith.constant 1 : i32
    %swap3A_226 = arith.index_cast %swap3A_225 : i32 to index
    %swap3A_227 = arith.constant 80 : index
    %swap3A_228 = tpu.vector_load %arg6[%swap3A_226, %swap3A_227] {strides = array<i32>} : memref<4x128xi32, #tpu.memory_space<vmem>>, vector<16xi32>,
    tpu.vector_store %arg6[%swap3A_226, %swap3A_227], %shift_right_arithmetic3A_224 {strides = array<i32>} : memref<4x128xi32, #tpu.memory_space<vmem>>, vector<16xi32>,
    %and3A_229 = arith.constant 15 : i32
    %and3A_230 = vector.broadcast %and3A_229 : i32 to vector<16xi32>
    %and3A_231 = arith.andi %get3A_221, %and3A_230 : vector<16xi32>
    %swap3A_232 = arith.constant 208 : index
    %swap3A_233 = tpu.vector_load %arg7[%swap3A_232] {strides = array<i32>} : memref<512xi32, #tpu.memory_space<vmem>>, vector<16xi32>,
    tpu.vector_store %arg7[%swap3A_232], %and3A_231 {strides = array<i32>} : memref<512xi32, #tpu.memory_space<vmem>>, vector<16xi32>,
    %get3A_234 = arith.constant 1 : i32
    %get3A_235 = arith.index_cast %get3A_234 : i32 to index
    %get3A_236 = arith.constant 96 : index
    %get3A_237 = tpu.vector_load %arg5[%get3A_235, %get3A_236] {strides = array<i32>} : memref<4x128xi32, #tpu.memory_space<vmem>>, vector<16xi32>,
    %shift_right_arithmetic3A_238 = arith.constant 4 : i32
    %shift_right_arithmetic3A_239 = vector.broadcast %shift_right_arithmetic3A_238 : i32 to vector<16xi32>
    %shift_right_arithmetic3A_240 = arith.shrsi %get3A_237, %shift_right_arithmetic3A_239 : vector<16xi32>
    %swap3A_241 = arith.constant 1 : i32
    %swap3A_242 = arith.index_cast %swap3A_241 : i32 to index
    %swap3A_243 = arith.constant 96 : index
    %swap3A_244 = tpu.vector_load %arg6[%swap3A_242, %swap3A_243] {strides = array<i32>} : memref<4x128xi32, #tpu.memory_space<vmem>>, vector<16xi32>,
    tpu.vector_store %arg6[%swap3A_242, %swap3A_243], %shift_right_arithmetic3A_240 {strides = array<i32>} : memref<4x128xi32, #tpu.memory_space<vmem>>, vector<16xi32>,
    %and3A_245 = arith.constant 15 : i32
    %and3A_246 = vector.broadcast %and3A_245 : i32 to vector<16xi32>
    %and3A_247 = arith.andi %get3A_237, %and3A_246 : vector<16xi32>
    %swap3A_248 = arith.constant 224 : index
    %swap3A_249 = tpu.vector_load %arg7[%swap3A_248] {strides = array<i32>} : memref<512xi32, #tpu.memory_space<vmem>>, vector<16xi32>,
    tpu.vector_store %arg7[%swap3A_248], %and3A_247 {strides = array<i32>} : memref<512xi32, #tpu.memory_space<vmem>>, vector<16xi32>,
    %get3A_250 = arith.constant 1 : i32
    %get3A_251 = arith.index_cast %get3A_250 : i32 to index
    %get3A_252 = arith.constant 112 : index
    %get3A_253 = tpu.vector_load %arg5[%get3A_251, %get3A_252] {strides = array<i32>} : memref<4x128xi32, #tpu.memory_space<vmem>>, vector<16xi32>,
    %shift_right_arithmetic3A_254 = arith.constant 4 : i32
    %shift_right_arithmetic3A_255 = vector.broadcast %shift_right_arithmetic3A_254 : i32 to vector<16xi32>
    %shift_right_arithmetic3A_256 = arith.shrsi %get3A_253, %shift_right_arithmetic3A_255 : vector<16xi32>
    %swap3A_257 = arith.constant 1 : i32
    %swap3A_258 = arith.index_cast %swap3A_257 : i32 to index
    %swap3A_259 = arith.constant 112 : index
    %swap3A_260 = tpu.vector_load %arg6[%swap3A_258, %swap3A_259] {strides = array<i32>} : memref<4x128xi32, #tpu.memory_space<vmem>>, vector<16xi32>,
    tpu.vector_store %arg6[%swap3A_258, %swap3A_259], %shift_right_arithmetic3A_256 {strides = array<i32>} : memref<4x128xi32, #tpu.memory_space<vmem>>, vector<16xi32>,
    %and3A_261 = arith.constant 15 : i32
    %and3A_262 = vector.broadcast %and3A_261 : i32 to vector<16xi32>
    %and3A_263 = arith.andi %get3A_253, %and3A_262 : vector<16xi32>
    %swap3A_264 = arith.constant 240 : index
    %swap3A_265 = tpu.vector_load %arg7[%swap3A_264] {strides = array<i32>} : memref<512xi32, #tpu.memory_space<vmem>>, vector<16xi32>,
    tpu.vector_store %arg7[%swap3A_264], %and3A_263 {strides = array<i32>} : memref<512xi32, #tpu.memory_space<vmem>>, vector<16xi32>,
    %get3A_266 = arith.constant 2 : i32
    %get3A_267 = arith.index_cast %get3A_266 : i32 to index
    %get3A_268 = arith.constant 0 : index
    %get3A_269 = tpu.vector_load %arg5[%get3A_267, %get3A_268] {strides = array<i32>} : memref<4x128xi32, #tpu.memory_space<vmem>>, vector<16xi32>,
    %shift_right_arithmetic3A_270 = arith.constant 4 : i32
    %shift_right_arithmetic3A_271 = vector.broadcast %shift_right_arithmetic3A_270 : i32 to vector<16xi32>
    %shift_right_arithmetic3A_272 = arith.shrsi %get3A_269, %shift_right_arithmetic3A_271 : vector<16xi32>
    %swap3A_273 = arith.constant 2 : i32
    %swap3A_274 = arith.index_cast %swap3A_273 : i32 to index
    %swap3A_275 = arith.constant 0 : index
    %swap3A_276 = tpu.vector_load %arg6[%swap3A_274, %swap3A_275] {strides = array<i32>} : memref<4x128xi32, #tpu.memory_space<vmem>>, vector<16xi32>,
    tpu.vector_store %arg6[%swap3A_274, %swap3A_275], %shift_right_arithmetic3A_272 {strides = array<i32>} : memref<4x128xi32, #tpu.memory_space<vmem>>, vector<16xi32>,
    %and3A_277 = arith.constant 15 : i32
    %and3A_278 = vector.broadcast %and3A_277 : i32 to vector<16xi32>
    %and3A_279 = arith.andi %get3A_269, %and3A_278 : vector<16xi32>
    %swap3A_280 = arith.constant 256 : index
    %swap3A_281 = tpu.vector_load %arg7[%swap3A_280] {strides = array<i32>} : memref<512xi32, #tpu.memory_space<vmem>>, vector<16xi32>,
    tpu.vector_store %arg7[%swap3A_280], %and3A_279 {strides = array<i32>} : memref<512xi32, #tpu.memory_space<vmem>>, vector<16xi32>,
    %get3A_282 = arith.constant 2 : i32
    %get3A_283 = arith.index_cast %get3A_282 : i32 to index
    %get3A_284 = arith.constant 16 : index
    %get3A_285 = tpu.vector_load %arg5[%get3A_283, %get3A_284] {strides = array<i32>} : memref<4x128xi32, #tpu.memory_space<vmem>>, vector<16xi32>,
    %shift_right_arithmetic3A_286 = arith.constant 4 : i32
    %shift_right_arithmetic3A_287 = vector.broadcast %shift_right_arithmetic3A_286 : i32 to vector<16xi32>
    %shift_right_arithmetic3A_288 = arith.shrsi %get3A_285, %shift_right_arithmetic3A_287 : vector<16xi32>
    %swap3A_289 = arith.constant 2 : i32
    %swap3A_290 = arith.index_cast %swap3A_289 : i32 to index
    %swap3A_291 = arith.constant 16 : index
    %swap3A_292 = tpu.vector_load %arg6[%swap3A_290, %swap3A_291] {strides = array<i32>} : memref<4x128xi32, #tpu.memory_space<vmem>>, vector<16xi32>,
    tpu.vector_store %arg6[%swap3A_290, %swap3A_291], %shift_right_arithmetic3A_288 {strides = array<i32>} : memref<4x128xi32, #tpu.memory_space<vmem>>, vector<16xi32>,
    %and3A_293 = arith.constant 15 : i32
    %and3A_294 = vector.broadcast %and3A_293 : i32 to vector<16xi32>
    %and3A_295 = arith.andi %get3A_285, %and3A_294 : vector<16xi32>
    %swap3A_296 = arith.constant 272 : index
    %swap3A_297 = tpu.vector_load %arg7[%swap3A_296] {strides = array<i32>} : memref<512xi32, #tpu.memory_space<vmem>>, vector<16xi32>,
    tpu.vector_store %arg7[%swap3A_296], %and3A_295 {strides = array<i32>} : memref<512xi32, #tpu.memory_space<vmem>>, vector<16xi32>,
    %get3A_298 = arith.constant 2 : i32
    %get3A_299 = arith.index_cast %get3A_298 : i32 to index
    %get3A_300 = arith.constant 32 : index
    %get3A_301 = tpu.vector_load %arg5[%get3A_299, %get3A_300] {strides = array<i32>} : memref<4x128xi32, #tpu.memory_space<vmem>>, vector<16xi32>,
    %shift_right_arithmetic3A_302 = arith.constant 4 : i32
    %shift_right_arithmetic3A_303 = vector.broadcast %shift_right_arithmetic3A_302 : i32 to vector<16xi32>
    %shift_right_arithmetic3A_304 = arith.shrsi %get3A_301, %shift_right_arithmetic3A_303 : vector<16xi32>
    %swap3A_305 = arith.constant 2 : i32
    %swap3A_306 = arith.index_cast %swap3A_305 : i32 to index
    %swap3A_307 = arith.constant 32 : index
    %swap3A_308 = tpu.vector_load %arg6[%swap3A_306, %swap3A_307] {strides = array<i32>} : memref<4x128xi32, #tpu.memory_space<vmem>>, vector<16xi32>,
    tpu.vector_store %arg6[%swap3A_306, %swap3A_307], %shift_right_arithmetic3A_304 {strides = array<i32>} : memref<4x128xi32, #tpu.memory_space<vmem>>, vector<16xi32>,
    %and3A_309 = arith.constant 15 : i32
    %and3A_310 = vector.broadcast %and3A_309 : i32 to vector<16xi32>
    %and3A_311 = arith.andi %get3A_301, %and3A_310 : vector<16xi32>
    %swap3A_312 = arith.constant 288 : index
    %swap3A_313 = tpu.vector_load %arg7[%swap3A_312] {strides = array<i32>} : memref<512xi32, #tpu.memory_space<vmem>>, vector<16xi32>,
    tpu.vector_store %arg7[%swap3A_312], %and3A_311 {strides = array<i32>} : memref<512xi32, #tpu.memory_space<vmem>>, vector<16xi32>,
    %get3A_314 = arith.constant 2 : i32
    %get3A_315 = arith.index_cast %get3A_314 : i32 to index
    %get3A_316 = arith.constant 48 : index
    %get3A_317 = tpu.vector_load %arg5[%get3A_315, %get3A_316] {strides = array<i32>} : memref<4x128xi32, #tpu.memory_space<vmem>>, vector<16xi32>,
    %shift_right_arithmetic3A_318 = arith.constant 4 : i32
    %shift_right_arithmetic3A_319 = vector.broadcast %shift_right_arithmetic3A_318 : i32 to vector<16xi32>
    %shift_right_arithmetic3A_320 = arith.shrsi %get3A_317, %shift_right_arithmetic3A_319 : vector<16xi32>
    %swap3A_321 = arith.constant 2 : i32
    %swap3A_322 = arith.index_cast %swap3A_321 : i32 to index
    %swap3A_323 = arith.constant 48 : index
    %swap3A_324 = tpu.vector_load %arg6[%swap3A_322, %swap3A_323] {strides = array<i32>} : memref<4x128xi32, #tpu.memory_space<vmem>>, vector<16xi32>,
    tpu.vector_store %arg6[%swap3A_322, %swap3A_323], %shift_right_arithmetic3A_320 {strides = array<i32>} : memref<4x128xi32, #tpu.memory_space<vmem>>, vector<16xi32>,
    %and3A_325 = arith.constant 15 : i32
    %and3A_326 = vector.broadcast %and3A_325 : i32 to vector<16xi32>
    %and3A_327 = arith.andi %get3A_317, %and3A_326 : vector<16xi32>
    %swap3A_328 = arith.constant 304 : index
    %swap3A_329 = tpu.vector_load %arg7[%swap3A_328] {strides = array<i32>} : memref<512xi32, #tpu.memory_space<vmem>>, vector<16xi32>,
    tpu.vector_store %arg7[%swap3A_328], %and3A_327 {strides = array<i32>} : memref<512xi32, #tpu.memory_space<vmem>>, vector<16xi32>,
    %get3A_330 = arith.constant 2 : i32
    %get3A_331 = arith.index_cast %get3A_330 : i32 to index
    %get3A_332 = arith.constant 64 : index
    %get3A_333 = tpu.vector_load %arg5[%get3A_331, %get3A_332] {strides = array<i32>} : memref<4x128xi32, #tpu.memory_space<vmem>>, vector<16xi32>,
    %shift_right_arithmetic3A_334 = arith.constant 4 : i32
    %shift_right_arithmetic3A_335 = vector.broadcast %shift_right_arithmetic3A_334 : i32 to vector<16xi32>
    %shift_right_arithmetic3A_336 = arith.shrsi %get3A_333, %shift_right_arithmetic3A_335 : vector<16xi32>
    %swap3A_337 = arith.constant 2 : i32
    %swap3A_338 = arith.index_cast %swap3A_337 : i32 to index
    %swap3A_339 = arith.constant 64 : index
    %swap3A_340 = tpu.vector_load %arg6[%swap3A_338, %swap3A_339] {strides = array<i32>} : memref<4x128xi32, #tpu.memory_space<vmem>>, vector<16xi32>,
    tpu.vector_store %arg6[%swap3A_338, %swap3A_339], %shift_right_arithmetic3A_336 {strides = array<i32>} : memref<4x128xi32, #tpu.memory_space<vmem>>, vector<16xi32>,
    %and3A_341 = arith.constant 15 : i32
    %and3A_342 = vector.broadcast %and3A_341 : i32 to vector<16xi32>
    %and3A_343 = arith.andi %get3A_333, %and3A_342 : vector<16xi32>
    %swap3A_344 = arith.constant 320 : index
    %swap3A_345 = tpu.vector_load %arg7[%swap3A_344] {strides = array<i32>} : memref<512xi32, #tpu.memory_space<vmem>>, vector<16xi32>,
    tpu.vector_store %arg7[%swap3A_344], %and3A_343 {strides = array<i32>} : memref<512xi32, #tpu.memory_space<vmem>>, vector<16xi32>,
    %get3A_346 = arith.constant 2 : i32
    %get3A_347 = arith.index_cast %get3A_346 : i32 to index
    %get3A_348 = arith.constant 80 : index
    %get3A_349 = tpu.vector_load %arg5[%get3A_347, %get3A_348] {strides = array<i32>} : memref<4x128xi32, #tpu.memory_space<vmem>>, vector<16xi32>,
    %shift_right_arithmetic3A_350 = arith.constant 4 : i32
    %shift_right_arithmetic3A_351 = vector.broadcast %shift_right_arithmetic3A_350 : i32 to vector<16xi32>
    %shift_right_arithmetic3A_352 = arith.shrsi %get3A_349, %shift_right_arithmetic3A_351 : vector<16xi32>
    %swap3A_353 = arith.constant 2 : i32
    %swap3A_354 = arith.index_cast %swap3A_353 : i32 to index
    %swap3A_355 = arith.constant 80 : index
    %swap3A_356 = tpu.vector_load %arg6[%swap3A_354, %swap3A_355] {strides = array<i32>} : memref<4x128xi32, #tpu.memory_space<vmem>>, vector<16xi32>,
    tpu.vector_store %arg6[%swap3A_354, %swap3A_355], %shift_right_arithmetic3A_352 {strides = array<i32>} : memref<4x128xi32, #tpu.memory_space<vmem>>, vector<16xi32>,
    %and3A_357 = arith.constant 15 : i32
    %and3A_358 = vector.broadcast %and3A_357 : i32 to vector<16xi32>
    %and3A_359 = arith.andi %get3A_349, %and3A_358 : vector<16xi32>
    %swap3A_360 = arith.constant 336 : index
    %swap3A_361 = tpu.vector_load %arg7[%swap3A_360] {strides = array<i32>} : memref<512xi32, #tpu.memory_space<vmem>>, vector<16xi32>,
    tpu.vector_store %arg7[%swap3A_360], %and3A_359 {strides = array<i32>} : memref<512xi32, #tpu.memory_space<vmem>>, vector<16xi32>,
    %get3A_362 = arith.constant 2 : i32
    %get3A_363 = arith.index_cast %get3A_362 : i32 to index
    %get3A_364 = arith.constant 96 : index
    %get3A_365 = tpu.vector_load %arg5[%get3A_363, %get3A_364] {strides = array<i32>} : memref<4x128xi32, #tpu.memory_space<vmem>>, vector<16xi32>,
    %shift_right_arithmetic3A_366 = arith.constant 4 : i32
    %shift_right_arithmetic3A_367 = vector.broadcast %shift_right_arithmetic3A_366 : i32 to vector<16xi32>
    %shift_right_arithmetic3A_368 = arith.shrsi %get3A_365, %shift_right_arithmetic3A_367 : vector<16xi32>
    %swap3A_369 = arith.constant 2 : i32
    %swap3A_370 = arith.index_cast %swap3A_369 : i32 to index
    %swap3A_371 = arith.constant 96 : index
    %swap3A_372 = tpu.vector_load %arg6[%swap3A_370, %swap3A_371] {strides = array<i32>} : memref<4x128xi32, #tpu.memory_space<vmem>>, vector<16xi32>,
    tpu.vector_store %arg6[%swap3A_370, %swap3A_371], %shift_right_arithmetic3A_368 {strides = array<i32>} : memref<4x128xi32, #tpu.memory_space<vmem>>, vector<16xi32>,
    %and3A_373 = arith.constant 15 : i32
    %and3A_374 = vector.broadcast %and3A_373 : i32 to vector<16xi32>
    %and3A_375 = arith.andi %get3A_365, %and3A_374 : vector<16xi32>
    %swap3A_376 = arith.constant 352 : index
    %swap3A_377 = tpu.vector_load %arg7[%swap3A_376] {strides = array<i32>} : memref<512xi32, #tpu.memory_space<vmem>>, vector<16xi32>,
    tpu.vector_store %arg7[%swap3A_376], %and3A_375 {strides = array<i32>} : memref<512xi32, #tpu.memory_space<vmem>>, vector<16xi32>,
    %get3A_378 = arith.constant 2 : i32
    %get3A_379 = arith.index_cast %get3A_378 : i32 to index
    %get3A_380 = arith.constant 112 : index
    %get3A_381 = tpu.vector_load %arg5[%get3A_379, %get3A_380] {strides = array<i32>} : memref<4x128xi32, #tpu.memory_space<vmem>>, vector<16xi32>,
    %shift_right_arithmetic3A_382 = arith.constant 4 : i32
    %shift_right_arithmetic3A_383 = vector.broadcast %shift_right_arithmetic3A_382 : i32 to vector<16xi32>
    %shift_right_arithmetic3A_384 = arith.shrsi %get3A_381, %shift_right_arithmetic3A_383 : vector<16xi32>
    %swap3A_385 = arith.constant 2 : i32
    %swap3A_386 = arith.index_cast %swap3A_385 : i32 to index
    %swap3A_387 = arith.constant 112 : index
    %swap3A_388 = tpu.vector_load %arg6[%swap3A_386, %swap3A_387] {strides = array<i32>} : memref<4x128xi32, #tpu.memory_space<vmem>>, vector<16xi32>,
    tpu.vector_store %arg6[%swap3A_386, %swap3A_387], %shift_right_arithmetic3A_384 {strides = array<i32>} : memref<4x128xi32, #tpu.memory_space<vmem>>, vector<16xi32>,
    %and3A_389 = arith.constant 15 : i32
    %and3A_390 = vector.broadcast %and3A_389 : i32 to vector<16xi32>
    %and3A_391 = arith.andi %get3A_381, %and3A_390 : vector<16xi32>
    %swap3A_392 = arith.constant 368 : index
    %swap3A_393 = tpu.vector_load %arg7[%swap3A_392] {strides = array<i32>} : memref<512xi32, #tpu.memory_space<vmem>>, vector<16xi32>,
    tpu.vector_store %arg7[%swap3A_392], %and3A_391 {strides = array<i32>} : memref<512xi32, #tpu.memory_space<vmem>>, vector<16xi32>,
    %get3A_394 = arith.constant 3 : i32
    %get3A_395 = arith.index_cast %get3A_394 : i32 to index
    %get3A_396 = arith.constant 0 : index
    %get3A_397 = tpu.vector_load %arg5[%get3A_395, %get3A_396] {strides = array<i32>} : memref<4x128xi32, #tpu.memory_space<vmem>>, vector<16xi32>,
    %shift_right_arithmetic3A_398 = arith.constant 4 : i32
    %shift_right_arithmetic3A_399 = vector.broadcast %shift_right_arithmetic3A_398 : i32 to vector<16xi32>
    %shift_right_arithmetic3A_400 = arith.shrsi %get3A_397, %shift_right_arithmetic3A_399 : vector<16xi32>
    %swap3A_401 = arith.constant 3 : i32
    %swap3A_402 = arith.index_cast %swap3A_401 : i32 to index
    %swap3A_403 = arith.constant 0 : index
    %swap3A_404 = tpu.vector_load %arg6[%swap3A_402, %swap3A_403] {strides = array<i32>} : memref<4x128xi32, #tpu.memory_space<vmem>>, vector<16xi32>,
    tpu.vector_store %arg6[%swap3A_402, %swap3A_403], %shift_right_arithmetic3A_400 {strides = array<i32>} : memref<4x128xi32, #tpu.memory_space<vmem>>, vector<16xi32>,
    %and3A_405 = arith.constant 15 : i32
    %and3A_406 = vector.broadcast %and3A_405 : i32 to vector<16xi32>
    %and3A_407 = arith.andi %get3A_397, %and3A_406 : vector<16xi32>
    %swap3A_408 = arith.constant 384 : index
    %swap3A_409 = tpu.vector_load %arg7[%swap3A_408] {strides = array<i32>} : memref<512xi32, #tpu.memory_space<vmem>>, vector<16xi32>,
    tpu.vector_store %arg7[%swap3A_408], %and3A_407 {strides = array<i32>} : memref<512xi32, #tpu.memory_space<vmem>>, vector<16xi32>,
    %get3A_410 = arith.constant 3 : i32
    %get3A_411 = arith.index_cast %get3A_410 : i32 to index
    %get3A_412 = arith.constant 16 : index
    %get3A_413 = tpu.vector_load %arg5[%get3A_411, %get3A_412] {strides = array<i32>} : memref<4x128xi32, #tpu.memory_space<vmem>>, vector<16xi32>,
    %shift_right_arithmetic3A_414 = arith.constant 4 : i32
    %shift_right_arithmetic3A_415 = vector.broadcast %shift_right_arithmetic3A_414 : i32 to vector<16xi32>
    %shift_right_arithmetic3A_416 = arith.shrsi %get3A_413, %shift_right_arithmetic3A_415 : vector<16xi32>
    %swap3A_417 = arith.constant 3 : i32
    %swap3A_418 = arith.index_cast %swap3A_417 : i32 to index
    %swap3A_419 = arith.constant 16 : index
    %swap3A_420 = tpu.vector_load %arg6[%swap3A_418, %swap3A_419] {strides = array<i32>} : memref<4x128xi32, #tpu.memory_space<vmem>>, vector<16xi32>,
    tpu.vector_store %arg6[%swap3A_418, %swap3A_419], %shift_right_arithmetic3A_416 {strides = array<i32>} : memref<4x128xi32, #tpu.memory_space<vmem>>, vector<16xi32>,
    %and3A_421 = arith.constant 15 : i32
    %and3A_422 = vector.broadcast %and3A_421 : i32 to vector<16xi32>
    %and3A_423 = arith.andi %get3A_413, %and3A_422 : vector<16xi32>
    %swap3A_424 = arith.constant 400 : index
    %swap3A_425 = tpu.vector_load %arg7[%swap3A_424] {strides = array<i32>} : memref<512xi32, #tpu.memory_space<vmem>>, vector<16xi32>,
    tpu.vector_store %arg7[%swap3A_424], %and3A_423 {strides = array<i32>} : memref<512xi32, #tpu.memory_space<vmem>>, vector<16xi32>,
    %get3A_426 = arith.constant 3 : i32
    %get3A_427 = arith.index_cast %get3A_426 : i32 to index
    %get3A_428 = arith.constant 32 : index
    %get3A_429 = tpu.vector_load %arg5[%get3A_427, %get3A_428] {strides = array<i32>} : memref<4x128xi32, #tpu.memory_space<vmem>>, vector<16xi32>,
    %shift_right_arithmetic3A_430 = arith.constant 4 : i32
    %shift_right_arithmetic3A_431 = vector.broadcast %shift_right_arithmetic3A_430 : i32 to vector<16xi32>
    %shift_right_arithmetic3A_432 = arith.shrsi %get3A_429, %shift_right_arithmetic3A_431 : vector<16xi32>
    %swap3A_433 = arith.constant 3 : i32
    %swap3A_434 = arith.index_cast %swap3A_433 : i32 to index
    %swap3A_435 = arith.constant 32 : index
    %swap3A_436 = tpu.vector_load %arg6[%swap3A_434, %swap3A_435] {strides = array<i32>} : memref<4x128xi32, #tpu.memory_space<vmem>>, vector<16xi32>,
    tpu.vector_store %arg6[%swap3A_434, %swap3A_435], %shift_right_arithmetic3A_432 {strides = array<i32>} : memref<4x128xi32, #tpu.memory_space<vmem>>, vector<16xi32>,
    %and3A_437 = arith.constant 15 : i32
    %and3A_438 = vector.broadcast %and3A_437 : i32 to vector<16xi32>
    %and3A_439 = arith.andi %get3A_429, %and3A_438 : vector<16xi32>
    %swap3A_440 = arith.constant 416 : index
    %swap3A_441 = tpu.vector_load %arg7[%swap3A_440] {strides = array<i32>} : memref<512xi32, #tpu.memory_space<vmem>>, vector<16xi32>,
    tpu.vector_store %arg7[%swap3A_440], %and3A_439 {strides = array<i32>} : memref<512xi32, #tpu.memory_space<vmem>>, vector<16xi32>,
    %get3A_442 = arith.constant 3 : i32
    %get3A_443 = arith.index_cast %get3A_442 : i32 to index
    %get3A_444 = arith.constant 48 : index
    %get3A_445 = tpu.vector_load %arg5[%get3A_443, %get3A_444] {strides = array<i32>} : memref<4x128xi32, #tpu.memory_space<vmem>>, vector<16xi32>,
    %shift_right_arithmetic3A_446 = arith.constant 4 : i32
    %shift_right_arithmetic3A_447 = vector.broadcast %shift_right_arithmetic3A_446 : i32 to vector<16xi32>
    %shift_right_arithmetic3A_448 = arith.shrsi %get3A_445, %shift_right_arithmetic3A_447 : vector<16xi32>
    %swap3A_449 = arith.constant 3 : i32
    %swap3A_450 = arith.index_cast %swap3A_449 : i32 to index
    %swap3A_451 = arith.constant 48 : index
    %swap3A_452 = tpu.vector_load %arg6[%swap3A_450, %swap3A_451] {strides = array<i32>} : memref<4x128xi32, #tpu.memory_space<vmem>>, vector<16xi32>,
    tpu.vector_store %arg6[%swap3A_450, %swap3A_451], %shift_right_arithmetic3A_448 {strides = array<i32>} : memref<4x128xi32, #tpu.memory_space<vmem>>, vector<16xi32>,
    %and3A_453 = arith.constant 15 : i32
    %and3A_454 = vector.broadcast %and3A_453 : i32 to vector<16xi32>
    %and3A_455 = arith.andi %get3A_445, %and3A_454 : vector<16xi32>
    %swap3A_456 = arith.constant 432 : index
    %swap3A_457 = tpu.vector_load %arg7[%swap3A_456] {strides = array<i32>} : memref<512xi32, #tpu.memory_space<vmem>>, vector<16xi32>,
    tpu.vector_store %arg7[%swap3A_456], %and3A_455 {strides = array<i32>} : memref<512xi32, #tpu.memory_space<vmem>>, vector<16xi32>,
    %get3A_458 = arith.constant 3 : i32
    %get3A_459 = arith.index_cast %get3A_458 : i32 to index
    %get3A_460 = arith.constant 64 : index
    %get3A_461 = tpu.vector_load %arg5[%get3A_459, %get3A_460] {strides = array<i32>} : memref<4x128xi32, #tpu.memory_space<vmem>>, vector<16xi32>,
    %shift_right_arithmetic3A_462 = arith.constant 4 : i32
    %shift_right_arithmetic3A_463 = vector.broadcast %shift_right_arithmetic3A_462 : i32 to vector<16xi32>
    %shift_right_arithmetic3A_464 = arith.shrsi %get3A_461, %shift_right_arithmetic3A_463 : vector<16xi32>
    %swap3A_465 = arith.constant 3 : i32
    %swap3A_466 = arith.index_cast %swap3A_465 : i32 to index
    %swap3A_467 = arith.constant 64 : index
    %swap3A_468 = tpu.vector_load %arg6[%swap3A_466, %swap3A_467] {strides = array<i32>} : memref<4x128xi32, #tpu.memory_space<vmem>>, vector<16xi32>,
    tpu.vector_store %arg6[%swap3A_466, %swap3A_467], %shift_right_arithmetic3A_464 {strides = array<i32>} : memref<4x128xi32, #tpu.memory_space<vmem>>, vector<16xi32>,
    %and3A_469 = arith.constant 15 : i32
    %and3A_470 = vector.broadcast %and3A_469 : i32 to vector<16xi32>
    %and3A_471 = arith.andi %get3A_461, %and3A_470 : vector<16xi32>
    %swap3A_472 = arith.constant 448 : index
    %swap3A_473 = tpu.vector_load %arg7[%swap3A_472] {strides = array<i32>} : memref<512xi32, #tpu.memory_space<vmem>>, vector<16xi32>,
    tpu.vector_store %arg7[%swap3A_472], %and3A_471 {strides = array<i32>} : memref<512xi32, #tpu.memory_space<vmem>>, vector<16xi32>,
    %get3A_474 = arith.constant 3 : i32
    %get3A_475 = arith.index_cast %get3A_474 : i32 to index
    %get3A_476 = arith.constant 80 : index
    %get3A_477 = tpu.vector_load %arg5[%get3A_475, %get3A_476] {strides = array<i32>} : memref<4x128xi32, #tpu.memory_space<vmem>>, vector<16xi32>,
    %shift_right_arithmetic3A_478 = arith.constant 4 : i32
    %shift_right_arithmetic3A_479 = vector.broadcast %shift_right_arithmetic3A_478 : i32 to vector<16xi32>
    %shift_right_arithmetic3A_480 = arith.shrsi %get3A_477, %shift_right_arithmetic3A_479 : vector<16xi32>
    %swap3A_481 = arith.constant 3 : i32
    %swap3A_482 = arith.index_cast %swap3A_481 : i32 to index
    %swap3A_483 = arith.constant 80 : index
    %swap3A_484 = tpu.vector_load %arg6[%swap3A_482, %swap3A_483] {strides = array<i32>} : memref<4x128xi32, #tpu.memory_space<vmem>>, vector<16xi32>,
    tpu.vector_store %arg6[%swap3A_482, %swap3A_483], %shift_right_arithmetic3A_480 {strides = array<i32>} : memref<4x128xi32, #tpu.memory_space<vmem>>, vector<16xi32>,
    %and3A_485 = arith.constant 15 : i32
    %and3A_486 = vector.broadcast %and3A_485 : i32 to vector<16xi32>
    %and3A_487 = arith.andi %get3A_477, %and3A_486 : vector<16xi32>
    %swap3A_488 = arith.constant 464 : index
    %swap3A_489 = tpu.vector_load %arg7[%swap3A_488] {strides = array<i32>} : memref<512xi32, #tpu.memory_space<vmem>>, vector<16xi32>,
    tpu.vector_store %arg7[%swap3A_488], %and3A_487 {strides = array<i32>} : memref<512xi32, #tpu.memory_space<vmem>>, vector<16xi32>,
    %get3A_490 = arith.constant 3 : i32
    %get3A_491 = arith.index_cast %get3A_490 : i32 to index
    %get3A_492 = arith.constant 96 : index
    %get3A_493 = tpu.vector_load %arg5[%get3A_491, %get3A_492] {strides = array<i32>} : memref<4x128xi32, #tpu.memory_space<vmem>>, vector<16xi32>,
    %shift_right_arithmetic3A_494 = arith.constant 4 : i32
    %shift_right_arithmetic3A_495 = vector.broadcast %shift_right_arithmetic3A_494 : i32 to vector<16xi32>
    %shift_right_arithmetic3A_496 = arith.shrsi %get3A_493, %shift_right_arithmetic3A_495 : vector<16xi32>
    %swap3A_497 = arith.constant 3 : i32
    %swap3A_498 = arith.index_cast %swap3A_497 : i32 to index
    %swap3A_499 = arith.constant 96 : index
    %swap3A_500 = tpu.vector_load %arg6[%swap3A_498, %swap3A_499] {strides = array<i32>} : memref<4x128xi32, #tpu.memory_space<vmem>>, vector<16xi32>,
    tpu.vector_store %arg6[%swap3A_498, %swap3A_499], %shift_right_arithmetic3A_496 {strides = array<i32>} : memref<4x128xi32, #tpu.memory_space<vmem>>, vector<16xi32>,
    %and3A_501 = arith.constant 15 : i32
    %and3A_502 = vector.broadcast %and3A_501 : i32 to vector<16xi32>
    %and3A_503 = arith.andi %get3A_493, %and3A_502 : vector<16xi32>
    %swap3A_504 = arith.constant 480 : index
    %swap3A_505 = tpu.vector_load %arg7[%swap3A_504] {strides = array<i32>} : memref<512xi32, #tpu.memory_space<vmem>>, vector<16xi32>,
    tpu.vector_store %arg7[%swap3A_504], %and3A_503 {strides = array<i32>} : memref<512xi32, #tpu.memory_space<vmem>>, vector<16xi32>,
    %get3A_506 = arith.constant 3 : i32
    %get3A_507 = arith.index_cast %get3A_506 : i32 to index
    %get3A_508 = arith.constant 112 : index
    %get3A_509 = tpu.vector_load %arg5[%get3A_507, %get3A_508] {strides = array<i32>} : memref<4x128xi32, #tpu.memory_space<vmem>>, vector<16xi32>,
    %shift_right_arithmetic3A_510 = arith.constant 4 : i32
    %shift_right_arithmetic3A_511 = vector.broadcast %shift_right_arithmetic3A_510 : i32 to vector<16xi32>
    %shift_right_arithmetic3A_512 = arith.shrsi %get3A_509, %shift_right_arithmetic3A_511 : vector<16xi32>
    %swap3A_513 = arith.constant 3 : i32
    %swap3A_514 = arith.index_cast %swap3A_513 : i32 to index
    %swap3A_515 = arith.constant 112 : index
    %swap3A_516 = tpu.vector_load %arg6[%swap3A_514, %swap3A_515] {strides = array<i32>} : memref<4x128xi32, #tpu.memory_space<vmem>>, vector<16xi32>,
    tpu.vector_store %arg6[%swap3A_514, %swap3A_515], %shift_right_arithmetic3A_512 {strides = array<i32>} : memref<4x128xi32, #tpu.memory_space<vmem>>, vector<16xi32>,
    %and3A_517 = arith.constant 15 : i32
    %and3A_518 = vector.broadcast %and3A_517 : i32 to vector<16xi32>
    %and3A_519 = arith.andi %get3A_509, %and3A_518 : vector<16xi32>
    %swap3A_520 = arith.constant 496 : index
    %swap3A_521 = tpu.vector_load %arg7[%swap3A_520] {strides = array<i32>} : memref<512xi32, #tpu.memory_space<vmem>>, vector<16xi32>,
    tpu.vector_store %arg7[%swap3A_520], %and3A_519 {strides = array<i32>} : memref<512xi32, #tpu.memory_space<vmem>>, vector<16xi32>,
    %dma_start3A = arith.constant 0 : i32
    %dma_start3A_522 = arith.constant 0 : i32
    %dma_start3A_523 = arith.constant 0 : i32
    %dma_start3A_524 = tpu.memref_slice %arg8[%dma_start3A_522, %dma_start3A_523] : memref<512x16xf32, #tpu.memory_space<vmem>> -> memref<128x16xf32, #tpu.memory_space<vmem>>
    %dma_start3A_525 = arith.constant 0 : i32
    %dma_start3A_526 = tpu.memref_slice %arg6[%dma_start3A, %dma_start3A_525] : memref<4x128xi32, #tpu.memory_space<vmem>> -> memref<1x128xi32, #tpu.memory_space<vmem>>
    %dma_start3A_527 = tpu.memref_squeeze %dma_start3A_526 : memref<1x128xi32, #tpu.memory_space<vmem>> -> memref<128xi32, #tpu.memory_space<vmem>>
    %dma_start3A_528 = arith.constant 0 : i32
    %dma_start3A_529 = arith.constant 0 : i32
    %dma_start3A_530 = tpu.memref_slice %arg2[%dma_start3A_528, %dma_start3A_529] : memref<62500x16xf32, #tpu.memory_space<hbm>> -> memref<62500x16xf32, #tpu.memory_space<hbm>>
    tpu.enqueue_indirect_dma source(%dma_start3A_530 : memref<62500x16xf32, #tpu.memory_space<hbm>>) target(%dma_start3A_524 : memref<128x16xf32, #tpu.memory_space<vmem>>) offsets(%dma_start3A_527 : memref<128xi32, #tpu.memory_space<vmem>>) semaphore(%arg10 : memref<!tpu.dma_semaphore, #tpu.memory_space<semaphore_mem>>)
    %dma_start3A_531 = arith.constant 1 : i32
    %dma_start3A_532 = arith.constant 128 : i32
    %dma_start3A_533 = arith.constant 0 : i32
    %dma_start3A_534 = tpu.memref_slice %arg8[%dma_start3A_532, %dma_start3A_533] : memref<512x16xf32, #tpu.memory_space<vmem>> -> memref<128x16xf32, #tpu.memory_space<vmem>>
    %dma_start3A_535 = arith.constant 0 : i32
    %dma_start3A_536 = tpu.memref_slice %arg6[%dma_start3A_531, %dma_start3A_535] : memref<4x128xi32, #tpu.memory_space<vmem>> -> memref<1x128xi32, #tpu.memory_space<vmem>>
    %dma_start3A_537 = tpu.memref_squeeze %dma_start3A_536 : memref<1x128xi32, #tpu.memory_space<vmem>> -> memref<128xi32, #tpu.memory_space<vmem>>
    %dma_start3A_538 = arith.constant 0 : i32
    %dma_start3A_539 = arith.constant 0 : i32
    %dma_start3A_540 = tpu.memref_slice %arg2[%dma_start3A_538, %dma_start3A_539] : memref<62500x16xf32, #tpu.memory_space<hbm>> -> memref<62500x16xf32, #tpu.memory_space<hbm>>
    tpu.enqueue_indirect_dma source(%dma_start3A_540 : memref<62500x16xf32, #tpu.memory_space<hbm>>) target(%dma_start3A_534 : memref<128x16xf32, #tpu.memory_space<vmem>>) offsets(%dma_start3A_537 : memref<128xi32, #tpu.memory_space<vmem>>) semaphore(%arg10 : memref<!tpu.dma_semaphore, #tpu.memory_space<semaphore_mem>>)
    %dma_start3A_541 = arith.constant 2 : i32
    %dma_start3A_542 = arith.constant 256 : i32
    %dma_start3A_543 = arith.constant 0 : i32
    %dma_start3A_544 = tpu.memref_slice %arg8[%dma_start3A_542, %dma_start3A_543] : memref<512x16xf32, #tpu.memory_space<vmem>> -> memref<128x16xf32, #tpu.memory_space<vmem>>
    %dma_start3A_545 = arith.constant 0 : i32
    %dma_start3A_546 = tpu.memref_slice %arg6[%dma_start3A_541, %dma_start3A_545] : memref<4x128xi32, #tpu.memory_space<vmem>> -> memref<1x128xi32, #tpu.memory_space<vmem>>
    %dma_start3A_547 = tpu.memref_squeeze %dma_start3A_546 : memref<1x128xi32, #tpu.memory_space<vmem>> -> memref<128xi32, #tpu.memory_space<vmem>>
    %dma_start3A_548 = arith.constant 0 : i32
    %dma_start3A_549 = arith.constant 0 : i32
    %dma_start3A_550 = tpu.memref_slice %arg2[%dma_start3A_548, %dma_start3A_549] : memref<62500x16xf32, #tpu.memory_space<hbm>> -> memref<62500x16xf32, #tpu.memory_space<hbm>>
    tpu.enqueue_indirect_dma source(%dma_start3A_550 : memref<62500x16xf32, #tpu.memory_space<hbm>>) target(%dma_start3A_544 : memref<128x16xf32, #tpu.memory_space<vmem>>) offsets(%dma_start3A_547 : memref<128xi32, #tpu.memory_space<vmem>>) semaphore(%arg10 : memref<!tpu.dma_semaphore, #tpu.memory_space<semaphore_mem>>)
    %dma_start3A_551 = arith.constant 3 : i32
    %dma_start3A_552 = arith.constant 384 : i32
    %dma_start3A_553 = arith.constant 0 : i32
    %dma_start3A_554 = tpu.memref_slice %arg8[%dma_start3A_552, %dma_start3A_553] : memref<512x16xf32, #tpu.memory_space<vmem>> -> memref<128x16xf32, #tpu.memory_space<vmem>>
    %dma_start3A_555 = arith.constant 0 : i32
    %dma_start3A_556 = tpu.memref_slice %arg6[%dma_start3A_551, %dma_start3A_555] : memref<4x128xi32, #tpu.memory_space<vmem>> -> memref<1x128xi32, #tpu.memory_space<vmem>>
    %dma_start3A_557 = tpu.memref_squeeze %dma_start3A_556 : memref<1x128xi32, #tpu.memory_space<vmem>> -> memref<128xi32, #tpu.memory_space<vmem>>
    %dma_start3A_558 = arith.constant 0 : i32
    %dma_start3A_559 = arith.constant 0 : i32
    %dma_start3A_560 = tpu.memref_slice %arg2[%dma_start3A_558, %dma_start3A_559] : memref<62500x16xf32, #tpu.memory_space<hbm>> -> memref<62500x16xf32, #tpu.memory_space<hbm>>
    tpu.enqueue_indirect_dma source(%dma_start3A_560 : memref<62500x16xf32, #tpu.memory_space<hbm>>) target(%dma_start3A_554 : memref<128x16xf32, #tpu.memory_space<vmem>>) offsets(%dma_start3A_557 : memref<128xi32, #tpu.memory_space<vmem>>) semaphore(%arg10 : memref<!tpu.dma_semaphore, #tpu.memory_space<semaphore_mem>>)
    %dma_wait3A = arith.constant 0 : i32
    %dma_wait3A_561 = arith.constant 0 : i32
    %dma_wait3A_562 = arith.constant 0 : i32
    %dma_wait3A_563 = tpu.memref_slice %arg8[%dma_wait3A_561, %dma_wait3A_562] : memref<512x16xf32, #tpu.memory_space<vmem>> -> memref<128x16xf32, #tpu.memory_space<vmem>>
    %dma_wait3A_564 = arith.constant 0 : i32
    %dma_wait3A_565 = tpu.memref_slice %arg6[%dma_wait3A, %dma_wait3A_564] : memref<4x128xi32, #tpu.memory_space<vmem>> -> memref<1x128xi32, #tpu.memory_space<vmem>>
    %dma_wait3A_566 = tpu.memref_squeeze %dma_wait3A_565 : memref<1x128xi32, #tpu.memory_space<vmem>> -> memref<128xi32, #tpu.memory_space<vmem>>
    %dma_wait3A_567 = arith.constant 0 : i32
    %dma_wait3A_568 = arith.constant 0 : i32
    %dma_wait3A_569 = tpu.memref_slice %arg2[%dma_wait3A_567, %dma_wait3A_568] : memref<62500x16xf32, #tpu.memory_space<hbm>> -> memref<62500x16xf32, #tpu.memory_space<hbm>>
    tpu.wait_indirect_dma semaphore(%arg10 : memref<!tpu.dma_semaphore, #tpu.memory_space<semaphore_mem>>) src(%dma_wait3A_569 : memref<62500x16xf32, #tpu.memory_space<hbm>>) dst(%dma_wait3A_563 : memref<128x16xf32, #tpu.memory_space<vmem>>)
    %dma_wait3A_570 = arith.constant 1 : i32
    %dma_wait3A_571 = arith.constant 128 : i32
    %dma_wait3A_572 = arith.constant 0 : i32
    %dma_wait3A_573 = tpu.memref_slice %arg8[%dma_wait3A_571, %dma_wait3A_572] : memref<512x16xf32, #tpu.memory_space<vmem>> -> memref<128x16xf32, #tpu.memory_space<vmem>>
    %dma_wait3A_574 = arith.constant 0 : i32
    %dma_wait3A_575 = tpu.memref_slice %arg6[%dma_wait3A_570, %dma_wait3A_574] : memref<4x128xi32, #tpu.memory_space<vmem>> -> memref<1x128xi32, #tpu.memory_space<vmem>>
    %dma_wait3A_576 = tpu.memref_squeeze %dma_wait3A_575 : memref<1x128xi32, #tpu.memory_space<vmem>> -> memref<128xi32, #tpu.memory_space<vmem>>
    %dma_wait3A_577 = arith.constant 0 : i32
    %dma_wait3A_578 = arith.constant 0 : i32
    %dma_wait3A_579 = tpu.memref_slice %arg2[%dma_wait3A_577, %dma_wait3A_578] : memref<62500x16xf32, #tpu.memory_space<hbm>> -> memref<62500x16xf32, #tpu.memory_space<hbm>>
    tpu.wait_indirect_dma semaphore(%arg10 : memref<!tpu.dma_semaphore, #tpu.memory_space<semaphore_mem>>) src(%dma_wait3A_579 : memref<62500x16xf32, #tpu.memory_space<hbm>>) dst(%dma_wait3A_573 : memref<128x16xf32, #tpu.memory_space<vmem>>)
    %dma_wait3A_580 = arith.constant 2 : i32
    %dma_wait3A_581 = arith.constant 256 : i32
    %dma_wait3A_582 = arith.constant 0 : i32
    %dma_wait3A_583 = tpu.memref_slice %arg8[%dma_wait3A_581, %dma_wait3A_582] : memref<512x16xf32, #tpu.memory_space<vmem>> -> memref<128x16xf32, #tpu.memory_space<vmem>>
    %dma_wait3A_584 = arith.constant 0 : i32
    %dma_wait3A_585 = tpu.memref_slice %arg6[%dma_wait3A_580, %dma_wait3A_584] : memref<4x128xi32, #tpu.memory_space<vmem>> -> memref<1x128xi32, #tpu.memory_space<vmem>>
    %dma_wait3A_586 = tpu.memref_squeeze %dma_wait3A_585 : memref<1x128xi32, #tpu.memory_space<vmem>> -> memref<128xi32, #tpu.memory_space<vmem>>
    %dma_wait3A_587 = arith.constant 0 : i32
    %dma_wait3A_588 = arith.constant 0 : i32
    %dma_wait3A_589 = tpu.memref_slice %arg2[%dma_wait3A_587, %dma_wait3A_588] : memref<62500x16xf32, #tpu.memory_space<hbm>> -> memref<62500x16xf32, #tpu.memory_space<hbm>>
    tpu.wait_indirect_dma semaphore(%arg10 : memref<!tpu.dma_semaphore, #tpu.memory_space<semaphore_mem>>) src(%dma_wait3A_589 : memref<62500x16xf32, #tpu.memory_space<hbm>>) dst(%dma_wait3A_583 : memref<128x16xf32, #tpu.memory_space<vmem>>)
    %dma_wait3A_590 = arith.constant 3 : i32
    %dma_wait3A_591 = arith.constant 384 : i32
    %dma_wait3A_592 = arith.constant 0 : i32
    %dma_wait3A_593 = tpu.memref_slice %arg8[%dma_wait3A_591, %dma_wait3A_592] : memref<512x16xf32, #tpu.memory_space<vmem>> -> memref<128x16xf32, #tpu.memory_space<vmem>>
    %dma_wait3A_594 = arith.constant 0 : i32
    %dma_wait3A_595 = tpu.memref_slice %arg6[%dma_wait3A_590, %dma_wait3A_594] : memref<4x128xi32, #tpu.memory_space<vmem>> -> memref<1x128xi32, #tpu.memory_space<vmem>>
    %dma_wait3A_596 = tpu.memref_squeeze %dma_wait3A_595 : memref<1x128xi32, #tpu.memory_space<vmem>> -> memref<128xi32, #tpu.memory_space<vmem>>
    %dma_wait3A_597 = arith.constant 0 : i32
    %dma_wait3A_598 = arith.constant 0 : i32
    %dma_wait3A_599 = tpu.memref_slice %arg2[%dma_wait3A_597, %dma_wait3A_598] : memref<62500x16xf32, #tpu.memory_space<hbm>> -> memref<62500x16xf32, #tpu.memory_space<hbm>>
    tpu.wait_indirect_dma semaphore(%arg10 : memref<!tpu.dma_semaphore, #tpu.memory_space<semaphore_mem>>) src(%dma_wait3A_599 : memref<62500x16xf32, #tpu.memory_space<hbm>>) dst(%dma_wait3A_593 : memref<128x16xf32, #tpu.memory_space<vmem>>)
    %scan3A = arith.constant 0 : i32
    %scan3A_600 = arith.constant 0 : i32
    %scan3A_601 = arith.constant 32 : i32
    %scan3A_602 = arith.addi %scan3A_600, %scan3A_601 : i32
    %scan3A_603 = arith.constant 1 : i32
    %scan3A_604 = scf.for %scan3A_606 = %scan3A_600 to %scan3A_602 step %scan3A_603 iter_args(%scan3A_607 = %scan3A) -> (i32)  : i32 {
      %mul3A_608 = arith.constant 16 : i32
      %mul3A_609 = arith.muli %scan3A_606, %mul3A_608 : i32
      %iota3A = tpu.iota {dimensions = array<i32: 0>} : vector<16xi32>
      %add3A_610 = vector.broadcast %mul3A_609 : i32 to vector<16xi32>
      %add3A_611 = arith.addi %add3A_610, %iota3A : vector<16xi32>
      %mul3A_612 = arith.constant 16 : i32
      %mul3A_613 = arith.muli %scan3A_606, %mul3A_612 : i32
      %get3A_614 = arith.index_cast %mul3A_613 : i32 to index
      %get3A_615 = tpu.vector_load %arg7[%get3A_614] {strides = array<i32>} : memref<512xi32, #tpu.memory_space<vmem>>, vector<16xi32>,
      %gather3A = tpu.vector_load_idx %arg8[%add3A_611, %get3A_615] : memref<512x16xf32, #tpu.memory_space<vmem>>[vector<16xi32>, vector<16xi32>], vector<16xf32>,
      %mul3A_616 = arith.constant 16 : i32
      %mul3A_617 = arith.muli %scan3A_606, %mul3A_616 : i32
      %swap3A_618 = arith.index_cast %mul3A_617 : i32 to index
      %swap3A_619 = tpu.vector_load %arg9[%swap3A_618] {strides = array<i32>} : memref<512xf32, #tpu.memory_space<vmem>>, vector<16xf32>,
      tpu.vector_store %arg9[%swap3A_618], %gather3A {strides = array<i32>} : memref<512xf32, #tpu.memory_space<vmem>>, vector<16xf32>,
      %scan3A_620 = arith.constant 0 : i32
      scf.yield %scan3A_620 : i32
    }
    %scan3A_605 = arith.constant 32 : i32
    "tpu.region"() ({
      %run_scoped3A_606 = tpu.sem_alloc : memref<!tpu.dma_semaphore, #tpu.memory_space<semaphore_mem>>
      %dma_start3A_607 = tpu.memref_slice %arg4[%mul3A_2] : memref<16384xf32, #tpu.memory_space<hbm>> -> memref<512xf32, #tpu.memory_space<hbm>>
      %dma_start3A_608 = tpu.memref_slice %arg4[%mul3A_2] : memref<16384xf32, #tpu.memory_space<hbm>> -> memref<512xf32, #tpu.memory_space<hbm>>
      tpu.enqueue_dma source(%arg9 : memref<512xf32, #tpu.memory_space<vmem>>) target(%dma_start3A_608 : memref<512xf32, #tpu.memory_space<hbm>>) target_semaphore(%run_scoped3A_606 : memref<!tpu.dma_semaphore, #tpu.memory_space<semaphore_mem>>)
      %dma_wait3A_609 = tpu.memref_slice %arg4[%mul3A_2] : memref<16384xf32, #tpu.memory_space<hbm>> -> memref<512xf32, #tpu.memory_space<hbm>>
      %dma_wait3A_610 = tpu.memref_slice %arg4[%mul3A_2] : memref<16384xf32, #tpu.memory_space<hbm>> -> memref<512xf32, #tpu.memory_space<hbm>>
      tpu.wait_dma2 semaphore(%run_scoped3A_606 : memref<!tpu.dma_semaphore, #tpu.memory_space<semaphore_mem>>) src(%arg9 : memref<512xf32, #tpu.memory_space<vmem>>) dst(%dma_wait3A_610 : memref<512xf32, #tpu.memory_space<hbm>>)
      tpu.yield
    }) : () -> ()
    return
  }
}

module attributes {stable_mosaic.version = 14 : i64} {
  func.func @_matvec_body(%arg0: i32, %arg1: memref<64x32768xf32, #tpu.memory_space<vmem>>, %arg2: memref<64x1xf32, #tpu.memory_space<vmem>>, %arg3: memref<1x1xf32, #tpu.memory_space<vmem>>, %arg4: memref<32768xf32, #tpu.memory_space<vmem>>) attributes {dimension_semantics = [#tpu.dimension_semantics<arbitrary>], iteration_bounds = array<i64: 31>, scalar_prefetch = 0 : i64, scratch_operands = 0 : i64, tpu.core_type = #tpu.core_type<tc>, window_params = [{transform_indices = @transform_0, window_bounds = array<i64: 64, 32768>}, {pipeline_mode = #tpu.pipeline_mode<synchronous>, transform_indices = @transform_1, window_bounds = array<i64: 64, 1>}, {pipeline_mode = #tpu.pipeline_mode<synchronous>, transform_indices = @transform_2, window_bounds = array<i64: 1, 1>}, {transform_indices = @transform_3, window_bounds = array<i64: 32768>}]} {
    %get3A = arith.constant 0 : index
    %get3A_0 = arith.constant 0 : index
    %get3A_1 = vector.load %arg1[%get3A, %get3A_0] : memref<64x32768xf32, #tpu.memory_space<vmem>>, vector<64x32768xf32>
    %get3A_2 = arith.constant 0 : index
    %get3A_3 = arith.constant 0 : index
    %get3A_4 = vector.load %arg2[%get3A_2, %get3A_3] : memref<64x1xf32, #tpu.memory_space<vmem>>, vector<64x1xf32>
    %mul3A = vector.broadcast %get3A_4 : vector<64x1xf32> to vector<64x32768xf32>
    %mul3A_5 = arith.mulf %get3A_1, %mul3A : vector<64x32768xf32>
    %reduce_sum3A = arith.constant dense<0.000000e+00> : vector<32768xf32>
    %reduce_sum3A_6 = vector.multi_reduction <add>, %mul3A_5, %reduce_sum3A [0] : vector<64x32768xf32> to vector<32768xf32>
    %get3A_7 = arith.constant 0 : index
    %get3A_8 = arith.constant 0 : index
    %get3A_9 = vector.load %arg3[%get3A_7, %get3A_8] : memref<1x1xf32, #tpu.memory_space<vmem>>, vector<1x1xf32>
    %get3A_10 = vector.extract %get3A_9[0, 0] : f32 from vector<1x1xf32>
    %add3A = vector.broadcast %get3A_10 : f32 to vector<32768xf32>
    %add3A_11 = arith.addf %reduce_sum3A_6, %add3A : vector<32768xf32>
    %swap3A = arith.constant 0 : index
    %swap3A_12 = vector.load %arg4[%swap3A] : memref<32768xf32, #tpu.memory_space<vmem>>, vector<32768xf32>
    tpu.vector_store %arg4[%swap3A], %add3A_11 {strides = array<i32>} : memref<32768xf32, #tpu.memory_space<vmem>>, vector<32768xf32>,
    return
  }
  func.func @transform_0(%arg0: i32) -> (i32, i32) {
    %c0_i32 = arith.constant 0 : i32
    %c0_i32_0 = arith.constant 0 : i32
    return %c0_i32, %arg0 : i32, i32
  }
  func.func @transform_1(%arg0: i32) -> (i32, i32) {
    %c0_i32 = arith.constant 0 : i32
    %c0_i32_0 = arith.constant 0 : i32
    %c0_i32_1 = arith.constant 0 : i32
    return %c0_i32, %c0_i32_0 : i32, i32
  }
  func.func @transform_2(%arg0: i32) -> (i32, i32) {
    %c0_i32 = arith.constant 0 : i32
    %c0_i32_0 = arith.constant 0 : i32
    %c0_i32_1 = arith.constant 0 : i32
    return %c0_i32, %c0_i32_0 : i32, i32
  }
  func.func @transform_3(%arg0: i32) -> i32 {
    %c0_i32 = arith.constant 0 : i32
    return %arg0 : i32
  }
}

</mosaic_0001>

<sc_bundles>
// kernel: _run.4.cloned.1.call-start
scs
__scs_entry_jumppad:
0x0: {  	(pc) =	sbr.rel $0x88, $3  }
0x1: {  	(tag) =	ssettag $0x0;
	lr =	simm.s32 $0x1  }
0x2: {  	[smem:$0x3F9D] =	sst lr;
	_ =	strace $0xD0000000  }
0x3: {  	_ = 	snop  }
0x4: {  	_ = 	snop  }
0x5: {  	_ = 	snop  }
0x6: {  	_ = 	snop  }
0x7: {  	_ = 	snop  }
__scs_overlays_trampoline_lowered:
0x8: {  	[smem:$0x3FAC] =	sst s0  }
0x9: {  	[smem:$0x3FAD] =	sst s1  }
0xa: {  	[smem:$0x3FAE] =	sst s2  }
0xb: {  	[smem:$0x3FAF] =	sst s3  }
0xc: {  	[smem:$0x3FB0] =	sst s4  }
0xd: {  	[smem:$0x3FB1] =	sst s5  }
0xe: {  	[smem:$0x3FB2] =	sst s6  }
0xf: {  	[smem:$0x3FB3] =	sst s7  }
0x10: {  	[smem:$0x3FB4] =	sst s8  }
0x11: {  	[smem:$0x3FB5] =	sst s9;
	s0 =	simm.s32 @!p0 $0x0  }
0x12: {  	s1 =	sld [smem:$0x3F9B];
	s0 =	simm.s32 @p0 $0x1  }
0x13: {  	[smem:$0x3FB6] =	sst s0;
	s0 =	simm.s32 @!p1 $0x0  }
0x14: {  	s2 =	sld [smem:$0x3F9A];
	s0 =	simm.s32 @p1 $0x1  }
0x15: {  	[smem:$0x3FB7] =	sst s0;
	s0 =	simm.s32 @!p2 $0x0  }
0x16: {  	s3 =	sld [smem:$0x3FDB];
	s0 =	simm.s32 @p2 $0x1  }
0x17: {  	s4 =	simm.s32 $0x1BF5;
	[smem:$0x3FB9] =	sst s0  }
0x18: {  	s0 =	sld [smem:$0x3F9C];
	_ =	swait.ge [sflag:s4], $0x0  }
0x19: {  	s7 =	sld [smem:$0x3F9D]  }
0x1a: {  	s8 =	sadd.s32 $0xFFFFE003, lr  }
0x1b: {  	s9 =	sadd.s32 $0xFFFFFEF7, lr;
	s5 =	simm.s32 $0xFFFFFFFF;
	p2 =	slt.u32 s8, $0xFFFFF086  }
0x1c: {  	p1 =	slt.u32 s9, $0xF7A;
	s5 =	simm.s32 @!p2 $0x0  }
0x1d: {  	s5 =	simm.s32 @p1 $0x1;
	p0 =	seq.s32 s7, s2  }
0x1e: {  	s7 =	smul.u32 @!p0 $0xF7A, s2;
	p2 =	seq.s32 @!p0 s5, $0x0  }
0x1f: {  	s9 =	smul.u32 $0xF7A, s1;
	s8 =	simm.s32 @!p0 $0x1BF5;
	p2 =	por !p2, p0  }
0x20: {  	[sflag:s8] =	ssyncset.s32 @!p0 $0xFFFFF086;
	s6 =	sadd.s32 @!p0 s3, s7;
	s7 =	simm.s32 @!p0 $0x108  }
0x21: {  	s3 =	sadd.s32 s3, s9;
	s6 =	sadd.s32 @!p0 $0x88, s6;
	s7 =	simm.s32 @p2 $0x1082  }
0x22: {  	[simem:s7], [sflag:s8] =	dma.local @!p0 [hbm:s6], $0xF7A  }
0x23: {  	s9 =	sor.u32 $0xD0000000, s2;
	s6 =	simm.s32 $0x108;
	_ =	swait.ge @!p0 [sflag:s8], $0x0  }
0x24: {  	s3 =	sadd.s32 $0x88, s3;
	s6 =	simm.s32 @!p1 $0x1082;
	[sflag:s4] =	ssyncset.s32 $0xFFFFF086  }
0x25: {  	[simem:s6], [sflag:s4] =	dma.local [hbm:s3], $0xF7A  }
0x26: {  	[smem:$0x3F9D] =	sst s1;
	(tag) =	ssettag s2;
	_ =	strace s9  }
0x27: {  	s1 =	sld [smem:$0x3FAD]  }
0x28: {  	s2 =	sld [smem:$0x3FAE]  }
0x29: {  	s4 =	sld [smem:$0x3FB0]  }
0x2a: {  	p0 =	seq.s32 s5, $0x0;
	s5 =	sld [smem:$0x3FB1]  }
0x2b: {  	s6 =	sld [smem:$0x3FB2]  }
0x2c: {  	s7 =	sld [smem:$0x3FB3]  }
0x2d: {  	s3 =	simm.s32 $0x108;
	s8 =	sld [smem:$0x3FB4]  }
0x2e: {  	s3 =	simm.s32 @!p0 $0x1082;
	s9 =	sld [smem:$0x3FB5]  }
0x2f: {  	lr =	sadd.s32 s0, s3;
	s0 =	sld [smem:$0x3FAC]  }
0x30: {  	s3 =	sld [smem:$0x3FAF]  }
0x31: {  	[smem:$0x3FB8] =	sst s10  }
0x32: {  	s10 =	sld [smem:$0x3FB6];
	_ =	sdelay $0x3  }
0x33: {  	p0 =	seq.s32 s10, $0x1;
	s10 =	sld [smem:$0x3FB8];
	_ =	sdelay $0x3  }
0x34: {  	[smem:$0x3FB8] =	sst s10  }
0x35: {  	s10 =	sld [smem:$0x3FB7];
	_ =	sdelay $0x3  }
0x36: {  	p1 =	seq.s32 s10, $0x1;
	s10 =	sld [smem:$0x3FB8];
	_ =	sdelay $0x3  }
0x37: {  	[smem:$0x3FB8] =	sst s10  }
0x38: {  	s10 =	sld [smem:$0x3FB9]  }
0x39: {  	_ = 	snop;
	(pc) =	sbr.ind lr, $3  }
0x3a: {  	_ = 	snop  }
0x3b: {  	_ = 	snop  }
0x3c: {  	p2 =	seq.s32 s10, $0x1;
	s10 =	sld [smem:$0x3FB8]  }
0x3d: {  	_ =	shalt  }
0x3e: {  	_ =	shalt  }
0x3f: {  	_ =	shalt  }
0x40: {  	_ =	shalt  }
0x41: {  	_ =	shalt  }
0x42: {  	_ =	shalt  }
0x43: {  	_ =	shalt  }
0x44: {  	_ =	shalt  }
0x45: {  	_ =	shalt  }
0x46: {  	_ =	shalt  }
0x47: {  	_ =	shalt  }
0x48: {  	_ =	shalt  }
0x49: {  	_ =	shalt  }
0x4a: {  	_ =	shalt  }
0x4b: {  	_ =	shalt  }
0x4c: {  	_ =	shalt  }
0x4d: {  	_ =	shalt  }
0x4e: {  	_ =	shalt  }
0x4f: {  	_ =	shalt  }
0x50: {  	_ =	shalt  }
0x51: {  	_ =	shalt  }
0x52: {  	_ =	shalt  }
0x53: {  	_ =	shalt  }
0x54: {  	_ =	shalt  }
0x55: {  	_ =	shalt  }
0x56: {  	_ =	shalt  }
0x57: {  	_ =	shalt  }
0x58: {  	_ =	shalt  }
0x59: {  	_ =	shalt  }
0x5a: {  	_ =	shalt  }
0x5b: {  	_ =	shalt  }
0x5c: {  	_ =	shalt  }
0x5d: {  	_ =	shalt  }
0x5e: {  	_ =	shalt  }
0x5f: {  	_ =	shalt  }
0x60: {  	_ =	shalt  }
0x61: {  	_ =	shalt  }
0x62: {  	_ =	shalt  }
0x63: {  	_ =	shalt  }
0x64: {  	_ =	shalt  }
0x65: {  	_ =	shalt  }
0x66: {  	_ =	shalt  }
0x67: {  	_ =	shalt  }
0x68: {  	_ =	shalt  }
0x69: {  	_ =	shalt  }
0x6a: {  	_ =	shalt  }
0x6b: {  	_ =	shalt  }
0x6c: {  	_ =	shalt  }
0x6d: {  	_ =	shalt  }
0x6e: {  	_ =	shalt  }
0x6f: {  	_ =	shalt  }
0x70: {  	_ =	shalt  }
0x71: {  	_ =	shalt  }
0x72: {  	_ =	shalt  }
0x73: {  	_ =	shalt  }
0x74: {  	_ =	shalt  }
0x75: {  	_ =	shalt  }
0x76: {  	_ =	shalt  }
0x77: {  	_ =	shalt  }
0x78: {  	_ =	shalt  }
0x79: {  	_ =	shalt  }
0x7a: {  	_ =	shalt  }
0x7b: {  	_ =	shalt  }
0x7c: {  	_ =	shalt  }
0x7d: {  	_ =	shalt  }
0x7e: {  	_ =	shalt  }
0x7f: {  	_ =	shalt  }
0x80: {  	_ =	shalt  }
0x81: {  	_ =	shalt  }
0x82: {  	_ =	shalt  }
0x83: {  	_ =	shalt  }
0x84: {  	_ =	shalt  }
0x85: {  	_ =	shalt  }
0x86: {  	_ =	shalt  }
0x87: {  	_ =	shalt  }
.Lfunc_end0:
.L_simem_size_0:
called_computation_lowered:
.L_overlay_start_0:
0x88: {  	s2 =	sld [smem:$0x3FD9]  }
0x89: {  	s3 =	sld [smem:$0x3FFE];
	_ =	sdelay $0x1  }
0x8a: {  	s1 =	srdreg.scid  }
0x8b: {  	s0 =	sand.u32 $0x1, s1  }
0x8c: {  	s17 =	sshll.u32 s0, $0xA;
	s2 =	sadd.s32 s3, s2  }
0x8d: {  	s2 =	sadd.s32 s2, s17  }
0x8e: {  	[smem:$0x3FC4] =	sst s2  }
0x8f: {  	_ = 	snop  }
0x90: {  	s2 =	sld [smem:$0x3FC9]  }
0x91: {  	s18 =	sld [smem:$0x3FD0];
	(tm) =	ssettm $0x1  }
0x92: {  	s4 =	sld [smem:$0x3FFB];
	_ =	sdelay $0x3  }
0x93: {  	_ =	strace s4  }
0x94: {  	s4 =	sld [smem:$0x3FFC];
	_ =	sdelay $0x3  }
0x95: {  	_ =	strace s4  }
0x96: {  	s4 =	sld [smem:$0x3FFD];
	_ =	sdelay $0x3  }
0x97: {  	_ =	strace s4  }
0x98: {  	_ =	strace $0x8FFFFFFF  }
0x99: {  	s19 =	sld [smem:$0x3FDB];
	_ =	sdelay $0x1  }
0x9a: {  	s5 =	simm.s32 $_scs_section_size  }
0x9b: {  	s6 =	simm.s32 $_size__tile_overlayer_lowered;
	s7 =	simm.s32 $_tile_overlayer_lowered  }
0x9c: {  	s22 =	simm.s32 $0x1BFF;
	s21 =	sshll.u32 s7, $0x1;
	s4 =	sadd.s32 s5, s19  }
0x9d: {  	s8 =	simm.s32 $0x0;
	s20 =	sshll.u32 s6, $0x1;
	s6 =	sadd.s32 s21, s4  }
0x9e: {  	[timem:s8], [sflag:s22] =	dma.local [hbm:s6], s20  }
0x9f: {  	_ =	swait.ge [sflag:s22], s20  }
0xa0: {  	s5 =	ssub.s32 $0x0, s20;
	[sflag:s22] =	ssyncset.done $0x0  }
0xa1: {  	[sflag:s22] =	ssyncadd.s32 s5;
	_ =	sdelay $0x1  }
0xa2: {  	s23 =	simm.s32 $0x1B8B  }
0xa3: {  	_ =	swait.ge [sflag:s23], $0x1  }
0xa4: {  	[sflag:s23] =	ssyncset.done $0x0  }
0xa5: {  	s25 =	simm.s32 $0x1B8E;
	s24 =	sld [smem:$0x3FFE];
	[sflag:s23] =	ssyncadd.s32 $0xFFFFFFFF  }
0xa6: {  	s26 =	simm.s32 $execute0_lowered;
	[smem:$0x3FD2] =	sst s25  }
0xa7: {  	s6 =	sshll.u32 s26, $0x1;
	_ =	strace $0x80000046;
	[dreg:$0x1] =	wrdreg $0xFFFFFFFF  }
0xa8: {  	s28 =	simm.s32 $_size_execute0_lowered;
	s4 =	sadd.s32 s4, s6;
	[dreg:$0x0] =	wrdreg $0x0  }
0xa9: {  	s6 =	sshll.u32 s28, $0x1;
	[dreg:$0x2] =	wrdreg s4  }
0xaa: {  	[dreg:$0x3] =	wrdreg s6  }
0xab: {  	[dreg:$0x4] =	wrdreg $0xC0  }
0xac: {  	_ =	task [dreg:s8], $0x5FFFF  }
0xad: {  	[dreg:$0x1] =	wrdreg $0xFFFFFFFF  }
0xae: {  	[dreg:$0x0] =	wrdreg $0x60  }
0xaf: {  	[dreg:$0x2] =	wrdreg s24  }
0xb0: {  	[dreg:$0x3] =	wrdreg s2  }
0xb1: {  	[dreg:$0x4] =	wrdreg s18  }
0xb2: {  	[dreg:$0x5] =	wrdreg $0x9  }
0xb3: {  	_ =	task.clear_ibuf [dreg:s8], $0x6FFFF;
	_ =	strace $0x90000046  }
0xb4: {  	s29 =	simm.s32 $0x9;
	_ =	strace $0x80000048  }
0xb5: {  	_ =	swait.ge [sflag:s29], $0x1  }
0xb6: {  	[sflag:s29] =	ssyncadd.s32 $0xFFFFFFFF  }
0xb7: {  	_ =	strace $0x90000048  }
0xb8: {  	_ =	sfence  }
0xb9: {  	s30 =	sld [smem:$0x0];
	_ =	sdelay $0x2  }
0xba: {  	s31 =	sshll.u32 s1, $0xD;
	s1 =	sshrl.u32 s1, $0x2  }
0xbb: {  	s3 =	sand.u32 $0x4000, s31;
	s1 =	sadd.s32 s1, s30  }
0xbc: {  	s0 =	sor.u32 s3, s0;
	s1 =	sshll.u32 s1, $0x11  }
0xbd: {  	s0 =	sor.u32 s1, s0  }
0xbe: {  	s0 =	sadd.s32 $0x8F2B, s0  }
0xbf: {  	[sflag:s0] =	ssyncadd.remote.s32 $0x1  }
0xc0: {  	_ =	sfence.sel $0xFFFF  }
0xc1: {  	[dreg:$0x0] =	wrdreg $0xFFFFFFFF;
	(pc) =	sbr.abs _section_cstart, $3  }
0xc2: {  	[dreg:$0x1] =	wrdreg $0xFFFFFFFF  }
0xc3: {  	_ =	task.clear_ibuf [dreg:s8], $0x2FFFF;
	_ =	strace $0x9FFFFFFF  }
0xc4: {  	(tm) =	ssettm $0x7FFFFFFF  }
0xc5: {  	_ =	shalt  }
tec
execute0_lowered:
.L_overlay_start_1:
0x0: {  	(tag) =	ssettag $0x1  }
0x1: {  	s3 =	rddreg [dreg:$0x0]  }
0x2: {  	s4 =	rddreg [dreg:$0x1]  }
0x3: {  	s8 =	rddreg [dreg:$0x2]  }
0x4: {  	s0 =	rddreg [dreg:$0x3];
	s5 =	srdreg.scid  }
0x5: {  	s2 =	simm.s32 $0x0;
	s1 =	stileid.u32;
	s11 =	simm.s32 $0x80  }
0x6: {  	s12 =	simm.s32 $0x100;
	s13 =	simm.s32 $0x180;
	s14 =	simm.s32 $0x200  }
0x7: {  	s15 =	simm.s32 $0x600;
	s16 =	simm.s32 $0x280;
	s17 =	simm.s32 $0xE00  }
0x8: {  	s18 =	simm.s32 $0x300;
	s19 =	simm.s32 $0x1600;
	s20 =	simm.s32 $0x380  }
0x9: {  	s21 =	simm.s32 $0x1E00;
	s22 =	simm.s32 $0x1;
	s23 =	simm.s32 $0x2600  }
0xa: {  	s24 =	simm.s32 $0x0;
	s5 =	sand.u32 $0x1, s5;
	[smem:$0x7FF] =	sst s2  }
0xb: {  	s6 =	sshll.u32 s1, $0x7;
	s7 =	sshll.u32 s5, $0x6;
	s5 =	ssub.s32 $0x2, s5  }
0xc: {  	s3 =	sadd.s32 $0x600, s3;
	s9 =	sor.u32 s7, s6;
	s31 =	sshrl.u32 s5, $0x1  }
0xd: {  	_ =	strace $0x80000047;
	s4 =	sadd.s32 s4, s9;
	s10 =	ssub.s32 s5, s31  }
0xe: {  	v0 =	vlaneseq.u32;
	s8 =	sadd.s32 s8, s9;
	s5 =	sadd.s32 $0x10, s4;
	s6 =	sadd.s32 $0x20, s4  }
0xf: {  	v0 =	vmul.u32 $0x10, v0;
	s7 =	sadd.s32 $0x30, s4;
	s9 =	smax.u32 s10, $0x1;
	s10 =	simm.s32 $0x2  }
.LBB2_1:
0x10: {  	[tilespmem:s2], [sflag:$0x2] =	stream.linear.gather [hbm4b:s4+s2], $0x80, $0x38;
	[tilespmem:$0x2800] =	vst v63  }
0x11: {  	_ =	swait.ge [sflag:s10], $0x80  }
0x12: {  	[sflag:s10] =	ssyncset.done $0x0  }
0x13: {  	[sflag:s10] =	ssyncadd.s32 $0xFFFFFF80  }
0x14: {  	[tilespmem:s11], [sflag:$0x2] =	stream.linear.gather [hbm4b:s5+s2], $0x80, $0x38;
	[tilespmem:$0x2800] =	vst v63  }
0x15: {  	_ =	swait.ge [sflag:s10], $0x80  }
0x16: {  	[sflag:s10] =	ssyncset.done $0x0  }
0x17: {  	[sflag:s10] =	ssyncadd.s32 $0xFFFFFF80  }
0x18: {  	[tilespmem:s12], [sflag:$0x2] =	stream.linear.gather [hbm4b:s6+s2], $0x80, $0x38;
	[tilespmem:$0x2800] =	vst v63  }
0x19: {  	_ =	swait.ge [sflag:s10], $0x80  }
0x1a: {  	[sflag:s10] =	ssyncset.done $0x0  }
0x1b: {  	[sflag:s10] =	ssyncadd.s32 $0xFFFFFF80  }
0x1c: {  	[tilespmem:s13], [sflag:$0x2] =	stream.linear.gather [hbm4b:s7+s2], $0x80, $0x38;
	[tilespmem:$0x2800] =	vst v63  }
0x1d: {  	_ =	swait.ge [sflag:s10], $0x80  }
0x1e: {  	[sflag:s10] =	ssyncset.done $0x0  }
0x1f: {  	[sflag:s10] =	ssyncadd.s32 $0xFFFFFF80  }
0x20: {  	v1 =	vld [tilespmem:$0x0];
	_ =	sdelay $0x1  }
0x21: {  	v2 =	vld [tilespmem:$0x10];
	_ =	sdelay $0x1  }
0x22: {  	v3 =	vld [tilespmem:$0x20]  }
0x23: {  	v4 =	vshra.s32 v1, $0x4  }
0x24: {  	v54 =	vld [tilespmem:$0x30];
	v1 =	vand.u32 $0xF, v1;
	[tilespmem:$0x200] =	vst v4  }
0x25: {  	[tilespmem:$0x400] =	vst v1;
	v1 =	vshra.s32 v2, $0x4  }
0x26: {  	[tilespmem:$0x210] =	vst v1;
	v1 =	vand.u32 $0xF, v2;
	v2 =	vld [tilespmem:$0x40]  }
0x27: {  	[tilespmem:$0x410] =	vst v1;
	v1 =	vshra.s32 v3, $0x4  }
0x28: {  	[tilespmem:$0x220] =	vst v1;
	v1 =	vand.u32 $0xF, v3;
	v3 =	vld [tilespmem:$0x50]  }
0x29: {  	[tilespmem:$0x420] =	vst v1;
	v1 =	vshra.s32 v54, $0x4  }
0x2a: {  	v55 =	vld [tilespmem:$0x60];
	[tilespmem:$0x230] =	vst v1;
	v1 =	vand.u32 $0xF, v54  }
0x2b: {  	[tilespmem:$0x430] =	vst v1;
	v1 =	vshra.s32 v2, $0x4  }
0x2c: {  	[tilespmem:$0x240] =	vst v1;
	v1 =	vand.u32 $0xF, v2;
	v2 =	vld [tilespmem:$0x70]  }
0x2d: {  	[tilespmem:$0x440] =	vst v1;
	v1 =	vshra.s32 v3, $0x4  }
0x2e: {  	[tilespmem:$0x250] =	vst v1;
	v1 =	vand.u32 $0xF, v3;
	v3 =	vld [tilespmem:$0x80]  }
0x2f: {  	[tilespmem:$0x450] =	vst v1;
	v1 =	vshra.s32 v55, $0x4  }
0x30: {  	v56 =	vld [tilespmem:$0x90];
	[tilespmem:$0x260] =	vst v1;
	v1 =	vand.u32 $0xF, v55  }
0x31: {  	[tilespmem:$0x460] =	vst v1;
	v1 =	vshra.s32 v2, $0x4  }
0x32: {  	[tilespmem:$0x270] =	vst v1;
	v1 =	vand.u32 $0xF, v2;
	v2 =	vld [tilespmem:$0xA0]  }
0x33: {  	[tilespmem:$0x470] =	vst v1;
	v1 =	vshra.s32 v3, $0x4  }
0x34: {  	[tilespmem:$0x280] =	vst v1;
	v1 =	vand.u32 $0xF, v3;
	v3 =	vld [tilespmem:$0xB0]  }
0x35: {  	[tilespmem:$0x480] =	vst v1;
	v1 =	vshra.s32 v56, $0x4  }
0x36: {  	v57 =	vld [tilespmem:$0xC0];
	[tilespmem:$0x290] =	vst v1;
	v1 =	vand.u32 $0xF, v56  }
0x37: {  	[tilespmem:$0x490] =	vst v1;
	v1 =	vshra.s32 v2, $0x4  }
0x38: {  	[tilespmem:$0x2A0] =	vst v1;
	v1 =	vand.u32 $0xF, v2;
	v2 =	vld [tilespmem:$0xD0]  }
0x39: {  	[tilespmem:$0x4A0] =	vst v1;
	v1 =	vshra.s32 v3, $0x4  }
0x3a: {  	[tilespmem:$0x2B0] =	vst v1;
	v1 =	vand.u32 $0xF, v3;
	v3 =	vld [tilespmem:$0xE0]  }
0x3b: {  	[tilespmem:$0x4B0] =	vst v1;
	v1 =	vshra.s32 v57, $0x4  }
0x3c: {  	v58 =	vld [tilespmem:$0xF0];
	[tilespmem:$0x2C0] =	vst v1;
	v1 =	vand.u32 $0xF, v57  }
0x3d: {  	[tilespmem:$0x4C0] =	vst v1;
	v1 =	vshra.s32 v2, $0x4  }
0x3e: {  	[tilespmem:$0x2D0] =	vst v1;
	v1 =	vand.u32 $0xF, v2;
	v2 =	vld [tilespmem:$0x100]  }
0x3f: {  	[tilespmem:$0x4D0] =	vst v1;
	v1 =	vshra.s32 v3, $0x4  }
0x40: {  	[tilespmem:$0x2E0] =	vst v1;
	v1 =	vand.u32 $0xF, v3;
	v3 =	vld [tilespmem:$0x110]  }
0x41: {  	[tilespmem:$0x4E0] =	vst v1;
	v1 =	vshra.s32 v58, $0x4  }
0x42: {  	v59 =	vld [tilespmem:$0x120];
	[tilespmem:$0x2F0] =	vst v1;
	v1 =	vand.u32 $0xF, v58  }
0x43: {  	[tilespmem:$0x4F0] =	vst v1;
	v1 =	vshra.s32 v2, $0x4  }
0x44: {  	[tilespmem:$0x300] =	vst v1;
	v1 =	vand.u32 $0xF, v2;
	v2 =	vld [tilespmem:$0x130]  }
0x45: {  	[tilespmem:$0x500] =	vst v1;
	v1 =	vshra.s32 v3, $0x4  }
0x46: {  	[tilespmem:$0x310] =	vst v1;
	v1 =	vand.u32 $0xF, v3;
	v3 =	vld [tilespmem:$0x140]  }
0x47: {  	[tilespmem:$0x510] =	vst v1;
	v1 =	vshra.s32 v59, $0x4  }
0x48: {  	v60 =	vld [tilespmem:$0x150];
	[tilespmem:$0x320] =	vst v1;
	v1 =	vand.u32 $0xF, v59  }
0x49: {  	[tilespmem:$0x520] =	vst v1;
	v1 =	vshra.s32 v2, $0x4  }
0x4a: {  	[tilespmem:$0x330] =	vst v1;
	v1 =	vand.u32 $0xF, v2;
	v2 =	vld [tilespmem:$0x160]  }
0x4b: {  	[tilespmem:$0x530] =	vst v1;
	v1 =	vshra.s32 v3, $0x4  }
0x4c: {  	[tilespmem:$0x340] =	vst v1;
	v1 =	vand.u32 $0xF, v3;
	v3 =	vld [tilespmem:$0x170]  }
0x4d: {  	[tilespmem:$0x540] =	vst v1;
	v1 =	vshra.s32 v60, $0x4  }
0x4e: {  	v61 =	vld [tilespmem:$0x180];
	[tilespmem:$0x350] =	vst v1;
	v1 =	vand.u32 $0xF, v60  }
0x4f: {  	[tilespmem:$0x550] =	vst v1;
	v1 =	vshra.s32 v2, $0x4  }
0x50: {  	[tilespmem:$0x360] =	vst v1;
	v1 =	vand.u32 $0xF, v2;
	v2 =	vld [tilespmem:$0x190]  }
0x51: {  	[tilespmem:$0x560] =	vst v1;
	v1 =	vshra.s32 v3, $0x4  }
0x52: {  	[tilespmem:$0x370] =	vst v1;
	v1 =	vand.u32 $0xF, v3;
	v3 =	vld [tilespmem:$0x1A0]  }
0x53: {  	[tilespmem:$0x570] =	vst v1;
	v1 =	vshra.s32 v61, $0x4  }
0x54: {  	v62 =	vld [tilespmem:$0x1B0];
	[tilespmem:$0x380] =	vst v1;
	v1 =	vand.u32 $0xF, v61  }
0x55: {  	[tilespmem:$0x580] =	vst v1;
	v1 =	vshra.s32 v2, $0x4  }
0x56: {  	[tilespmem:$0x390] =	vst v1;
	v1 =	vand.u32 $0xF, v2;
	v2 =	vld [tilespmem:$0x1C0]  }
0x57: {  	[tilespmem:$0x590] =	vst v1;
	v1 =	vshra.s32 v3, $0x4  }
0x58: {  	[tilespmem:$0x3A0] =	vst v1;
	v1 =	vand.u32 $0xF, v3;
	v3 =	vld [tilespmem:$0x1D0]  }
0x59: {  	[tilespmem:$0x5A0] =	vst v1;
	v1 =	vshra.s32 v62, $0x4  }
0x5a: {  	v63 =	vld [tilespmem:$0x1E0];
	[tilespmem:$0x3B0] =	vst v1;
	v1 =	vand.u32 $0xF, v62  }
0x5b: {  	[tilespmem:$0x5B0] =	vst v1;
	v1 =	vshra.s32 v2, $0x4  }
0x5c: {  	[tilespmem:$0x3C0] =	vst v1;
	v1 =	vand.u32 $0xF, v2;
	v2 =	vld [tilespmem:$0x1F0]  }
0x5d: {  	[tilespmem:$0x5C0] =	vst v1;
	v1 =	vshra.s32 v3, $0x4  }
0x5e: {  	[tilespmem:$0x3D0] =	vst v1;
	v1 =	vand.u32 $0xF, v3  }
0x5f: {  	[tilespmem:$0x5D0] =	vst v1;
	v1 =	vshra.s32 v63, $0x4  }
0x60: {  	[tilespmem:$0x3E0] =	vst v1;
	v1 =	vand.u32 $0xF, v63  }
0x61: {  	[tilespmem:$0x5E0] =	vst v1;
	v1 =	vshra.s32 v2, $0x4  }
0x62: {  	[tilespmem:$0x3F0] =	vst v1;
	v1 =	vand.u32 $0xF, v2  }
0x63: {  	[tilespmem:$0x5F0] =	vst v1  }
0x64: {  	[tilespmem:s15], [sflag:$0x1] =	stream.indirect.gather [hbm4b:s3+s11], $0x10, s14, s11, $0xb8;
	[tilespmem:$0x2800] =	vst v63  }
0x65: {  	_ = 	snop  }
0x66: {  	[tilespmem:s17], [sflag:$0x1] =	stream.indirect.gather [hbm4b:s3+s11], $0x10, s16, s11, $0xb8;
	[tilespmem:$0x2800] =	vst v63  }
0x67: {  	_ = 	snop  }
0x68: {  	[tilespmem:s19], [sflag:$0x1] =	stream.indirect.gather [hbm4b:s3+s11], $0x10, s18, s11, $0xb8;
	[tilespmem:$0x2800] =	vst v63  }
0x69: {  	_ = 	snop  }
0x6a: {  	[tilespmem:s21], [sflag:$0x1] =	stream.indirect.gather [hbm4b:s3+s11], $0x10, s20, s11, $0xb8;
	[tilespmem:$0x2800] =	vst v63  }
0x6b: {  	_ =	swait.ge [sflag:s22], $0x800  }
0x6c: {  	[sflag:s22] =	ssyncset.done $0x0  }
0x6d: {  	[sflag:s22] =	ssyncadd.s32 $0xFFFFF800  }
0x6e: {  	_ =	swait.ge [sflag:s22], $0x800  }
0x6f: {  	[sflag:s22] =	ssyncset.done $0x0  }
0x70: {  	[sflag:s22] =	ssyncadd.s32 $0xFFFFF800  }
0x71: {  	_ =	swait.ge [sflag:s22], $0x800  }
0x72: {  	[sflag:s22] =	ssyncset.done $0x0  }
0x73: {  	[sflag:s22] =	ssyncadd.s32 $0xFFFFF800  }
0x74: {  	_ =	swait.ge [sflag:s22], $0x800  }
0x75: {  	[sflag:s22] =	ssyncset.done $0x0  }
0x76: {  	s25 =	simm.s32 $0x400;
	[sflag:s22] =	ssyncadd.s32 $0xFFFFF800  }
0x77: {  	v1 =	vld [tilespmem:s25+$0x0];
	_ =	sdelay $0x2  }
0x78: {  	v2 =	vmov s2  }
0x79: {  	v2 =	vshll.u32 v2, $0x4  }
0x7a: {  	v2 =	vor.u32 v0, v2;
	v3 =	vand.u32 $0xFFFFFFF8, v1  }
0x7b: {  	v1 =	vand.u32 $0x7, v1;
	v2 =	vadd.s32 v2, v3  }
0x7c: {  	v1 =	vor.u32 v1, v2;
	_ =	sdelay $0x4  }
0x7d: {  	v1 =	vld.idx.msk [tilespmem:v1+s15+$0x0], $0xffff;
	_ =	sdelay $0x4  }
0x7e: {  	s26 =	simm.s32 $0x410;
	[tilespmem:s23+$0x0] =	vst v1  }
0x7f: {  	s28 =	simm.s32 $0x10;
	s29 =	simm.s32 $0x20;
	s25 =	simm.s32 $0x2600;
	v1 =	vld [tilespmem:s26+$0x0]  }
.LBB2_2:
0x80: {  	p0 =	sne.s32 s29, $0x1F0;
	_ =	sdelay $0x1  }
0x81: {  	v2 =	vmov s28;
	s28 =	smov.u32 s29  }
0x82: {  	v2 =	vshll.u32 v2, $0x4  }
0x83: {  	v2 =	vor.u32 v0, v2;
	v3 =	vand.u32 $0xFFFFFFF8, v1  }
0x84: {  	v1 =	vand.u32 $0x7, v1;
	v2 =	vadd.s32 v2, v3  }
0x85: {  	v1 =	vor.u32 v1, v2;
	_ =	sdelay $0x4  }
0x86: {  	v1 =	vld.idx.msk [tilespmem:v1+s15+$0x0], $0xffff;
	_ =	sdelay $0x2  }
.Ltmp0:
0x87: {  	(pc) =	sbr.rel @p0 .LBB2_2-.Ltmp0, $4  }
0x88: {  	_ = 	snop  }
0x89: {  	s25 =	sadd.s32 $0x10, s25  }
0x8a: {  	s26 =	sadd.s32 $0x10, s26;
	[tilespmem:s25+$0x0] =	vst v1  }
0x8b: {  	s29 =	sadd.s32 $0x10, s29;
	v1 =	vld [tilespmem:s26+$0x0]  }
0x8c: {  	_ =	sdelay $0x1  }
0x8d: {  	v2 =	vmov s28  }
0x8e: {  	v2 =	vshll.u32 v2, $0x4  }
0x8f: {  	v2 =	vor.u32 v0, v2;
	v3 =	vand.u32 $0xFFFFFFF8, v1  }
0x90: {  	v1 =	vand.u32 $0x7, v1;
	v2 =	vadd.s32 v2, v3  }
0x91: {  	v1 =	vor.u32 v1, v2;
	_ =	sdelay $0x4  }
0x92: {  	v1 =	vld.idx.msk [tilespmem:v1+s15+$0x0], $0xffff;
	_ =	sdelay $0x2  }
0x93: {  	s24 =	sadd.s32 $0x1, s24  }
0x94: {  	s25 =	sadd.s32 $0x10, s25;
	p0 =	sne.s32 s24, s9  }
.Ltmp1:
0x95: {  	[tilespmem:s25+$0x0] =	vst v1;
	(pc) =	sbr.rel @p0 .LBB2_1-.Ltmp1, $4  }
0x96: {  	[hbm4b:s8+s2] =	stream.linear.scatter [tilespmem:s23], [sflag:$0x2], $0x200, $0x38;
	[tilespmem:$0x2800] =	vst v63  }
0x97: {  	_ =	swait.ge [sflag:s10], $0x200  }
0x98: {  	[sflag:s10] =	ssyncset.done $0x0  }
0x99: {  	[sflag:s10] =	ssyncadd.s32 $0xFFFFFE00  }
0x9a: {  	_ =	sfence.sel $0x180000  }
0x9b: {  	[bflag:$0x0] =	sbarrier.arrive $0xFFFF  }
0x9c: {  	p0 =	sne.s32 s1, $0x0;
	_ =	strace $0x90000047  }
0x9d: {  	s0 =	sadd.s32 @!p0 $0x100000, s0;
	[bflag:$0x2] =	sbarrier.arrive $0xFFFF  }
0x9e: {  	[sflag:s0] =	ssyncadd.tile.s32 @!p0 $0x1;
	_ =	shalt  }
.Lfunc_end2:
_tile_overlayer_lowered:
.L_overlay_start_2:
0x9f: {  	(tag) =	ssettag $0x2  }
0xa0: {  	s0 =	rddreg [dreg:$0x0];
	s2 =	stileid.u32  }
0xa1: {  	s1 =	rddreg [dreg:$0x1];
	p0 =	sne.s32 s2, $0x0  }
0xa2: {  	s3 =	rddreg [dreg:$0x2];
	[bflag:$0x3] =	sbarrier.arrive $0xFFFF;
	s2 =	simm.s32 @!p0 $0x1C02  }
0xa3: {  	[timem:s3], [sflag:s2] =	dma.local @!p0 [hbm:s0], s1  }
0xa4: {  	s0 =	simm.s32 @!p0 $0x2  }
0xa5: {  	_ =	swait.ge @!p0 [sflag:s0], s1  }
0xa6: {  	s1 =	ssub.s32 @!p0 $0x0, s1;
	[sflag:s0] =	ssyncset.done @!p0 $0x0  }
0xa7: {  	[sflag:s0] =	ssyncadd.s32 @!p0 s1  }
0xa8: {  	[bflag:$0x3] =	sbarrier.arrive $0xFFFF  }
0xa9: {  	_ =	shalt  }

</sc_bundles>
